<compile_context>
chip_gen: v7x
topology: tpu7x:2x2x1
jax: 0.10.2.dev20260603
libtpu: 0.0.44.dev20260713+nightly
codegen_flags: <defaults>
</compile_context>

<pallas_src>
import functools

import jax
import jax.numpy as jnp
from jax import lax
from jax.experimental import pallas as pl
from jax.experimental.pallas import tpu as pltpu
from jax.experimental.pallas import tpu_sc as plsc

_CHUNK = 128


def kernel(labels, embedding_table, train):
    del train
    B = labels.shape[0]
    V, D = embedding_table.shape

    info = plsc.get_sparse_core_info()
    NC, NS = info.num_cores, info.num_subcores
    d_per_c = D // NC
    b_per_s = B // NS
    n_chunks = b_per_s // _CHUNK

    v_main = (V // 128) * 128
    BV = v_main + 128

    tail = embedding_table[v_main:].T
    tail = jnp.pad(tail, ((0, 0), (0, 128 - tail.shape[1])))

    mesh = plsc.VectorSubcoreMesh(core_axis_name="c", subcore_axis_name="s")

    @functools.partial(
        pl.kernel,
        mesh=mesh,
        out_type=jax.ShapeDtypeStruct((D, B), jnp.float32),
        scratch_types=[
            pltpu.VMEM((b_per_s,), jnp.int32),
            pltpu.VMEM((b_per_s,), jnp.float32),
            pltpu.VMEM((b_per_s,), jnp.float32),
            pltpu.VMEM_SHARED((BV,), jnp.float32),
            pltpu.VMEM_SHARED((BV,), jnp.float32),
            pltpu.SemaphoreType.DMA,
            pltpu.SemaphoreType.DMA,
            pltpu.SemaphoreType.DMA,
        ],
        compiler_params=pltpu.CompilerParams(needs_layout_passes=False),
    )
    def emb(idx_hbm, tab_hbm, tail_hbm, out_hbm, idx_v, bnc_a, bnc_b,
            buf_a, buf_b, row_sem, g_sem, w_sem):
        cid = lax.axis_index("c")
        sid = lax.axis_index("s")
        ibase = pl.multiple_of(sid * b_per_s, b_per_s)
        d0 = cid * d_per_c

        def stage(d, buf):
            pltpu.async_copy(
                tab_hbm.at[d].at[pl.ds(0, v_main)],
                buf.at[pl.ds(0, v_main)],
                row_sem,
            )
            pltpu.async_copy(
                tail_hbm.at[d], buf.at[pl.ds(v_main, 128)], row_sem
            )

        def wait_stage():
            pltpu.make_async_copy(
                tab_hbm.at[0].at[pl.ds(0, v_main)],
                buf_a.at[pl.ds(0, v_main)],
                row_sem,
            ).wait()
            pltpu.make_async_copy(
                tail_hbm.at[0], buf_a.at[pl.ds(v_main, 128)], row_sem
            ).wait()

        @pl.when(sid == 0)
        def _():
            stage(d0, buf_a)

        pltpu.sync_copy(idx_hbm.at[pl.ds(ibase, b_per_s)], idx_v)

        def do_feature(k, buf, other, bnc, kk):
            @pl.when(sid == 0)
            def _():
                wait_stage()

            plsc.subcore_barrier()

            @pl.when(jnp.logical_and(sid == 0, k + 1 < d_per_c))
            def _():
                stage(d0 + k + 1, other)

            @pl.when(kk > 0)
            def _():
                pltpu.make_async_copy(
                    idx_hbm.at[pl.ds(0, b_per_s)], bnc, w_sem
                ).wait()

            copies = []
            for m in range(n_chunks):
                copies.append(
                    pltpu.async_copy(
                        buf.at[idx_v.at[pl.ds(m * _CHUNK, _CHUNK)]],
                        bnc.at[pl.ds(m * _CHUNK, _CHUNK)],
                        g_sem,
                    )
                )
            for c in copies:
                c.wait()

            pltpu.async_copy(
                bnc, out_hbm.at[d0 + k, pl.ds(ibase, b_per_s)], w_sem
            )

        def pair(kk):
            do_feature(2 * kk, buf_a, buf_b, bnc_a, kk)
            do_feature(2 * kk + 1, buf_b, buf_a, bnc_b, kk)

        pl.loop(0, d_per_c // 2)(pair)

        pltpu.make_async_copy(idx_hbm.at[pl.ds(0, b_per_s)], bnc_a, w_sem).wait()
        pltpu.make_async_copy(idx_hbm.at[pl.ds(0, b_per_s)], bnc_b, w_sem).wait()

    return emb(labels, embedding_table.T, tail).T

# --- scband reference (transcript-rebuilt; emitter-appended) ---
"""Pipeline reference for scband-label-embedder-18339510354640 (READ-ONLY COPY).

The authoritative reference and input builder live on the scoring server;
editing this copy changes nothing except your own understanding.
"""

import jax, jax.numpy as jnp
import numpy as np

NUM_CLASSES = 1000000
MODEL_DIM = 64
USE_CFG = 1
BATCH = 16384

def setup_inputs(seed: int = 0) -> dict:
    key = jax.random.key(seed)
    k1, k2 = jax.random.split(key)
    labels = jax.random.randint(k1, (BATCH,), 0, NUM_CLASSES + USE_CFG, dtype=jnp.int64 if jax.config.read('jax_enable_x64') else jnp.int32)
    # embedding table, nn.Embedding default init: N(0, 1)
    embedding_table = jax.random.normal(k2, (NUM_CLASSES + USE_CFG, MODEL_DIM), dtype=jnp.float32)
    return {"labels": labels, "embedding_table": embedding_table, "train": True}

def reference(labels, embedding_table, train) -> jnp.ndarray:
    # LabelEmbedder.forward: embedding lookup (train flag unused in forward path shown)
    label_embeddings = jnp.take(embedding_table, labels, axis=0)
    return label_embeddings

if __name__ == "__main__":
    import jax
    _d = setup_inputs()
    print(jax.jit(kernel)(*tuple(_d.values())))

</pallas_src>

<mosaic_0001>
#map = affine_map<(d0, d1) -> (0)>
#map1 = affine_map<(d0, d1) -> (0, 0)>
module attributes {stable_mosaic.version = 14 : i64} {
  func.func @emb(%arg0: i32, %arg1: i32, %arg2: memref<16384xi32, #tpu.memory_space<hbm>>, %arg3: memref<64x1000001xf32, #tpu.memory_space<hbm>>, %arg4: memref<64x128xf32, #tpu.memory_space<hbm>>, %arg5: memref<64x16384xf32, #tpu.memory_space<hbm>>, %arg6: memref<1024xi32, #tpu.memory_space<vmem>>, %arg7: memref<1024xf32, #tpu.memory_space<vmem>>, %arg8: memref<1024xf32, #tpu.memory_space<vmem>>, %arg9: memref<1000064xf32, #tpu.memory_space<vmem_shared>>, %arg10: memref<1000064xf32, #tpu.memory_space<vmem_shared>>, %arg11: memref<!tpu.dma_semaphore, #tpu.memory_space<semaphore_mem>>, %arg12: memref<!tpu.dma_semaphore, #tpu.memory_space<semaphore_mem>>, %arg13: memref<!tpu.dma_semaphore, #tpu.memory_space<semaphore_mem>>) attributes {dimension_semantics = [#tpu.dimension_semantics<core_parallel>, #tpu.dimension_semantics<subcore_parallel>], iteration_bounds = array<i64: 2, 16>, scalar_prefetch = 0 : i64, scratch_operands = 8 : i64, tpu.core_type = #tpu.core_type<sc_vector_subcore>, window_params = [{transform_indices = #map}, {transform_indices = #map1}, {transform_indices = #map1}, {transform_indices = #map1}]} {
    %mul3A = arith.constant 1024 : i32
    %mul3A_0 = arith.muli %arg1, %mul3A : i32
    %multiple_of3A = tpu.assume_multiple %mul3A_0, 1024 : i32
    %mul3A_1 = arith.constant 32 : i32
    %mul3A_2 = arith.muli %arg0, %mul3A_1 : i32
    %eq3A = arith.constant 0 : i32
    %eq3A_3 = arith.cmpi eq, %arg1, %eq3A : i32
    %convert_element_type3A = arith.extui %eq3A_3 : i1 to i32
    %cond3A = arith.constant 0 : i32
    %cond3A_4 = arith.cmpi ne, %convert_element_type3A, %cond3A : i32
    scf.if %cond3A_4 {
      %dma_start3A = arith.constant 0 : i32
      %dma_start3A_16 = tpu.memref_slice %arg9[%dma_start3A] : memref<1000064xf32, #tpu.memory_space<vmem_shared>> -> memref<999936xf32, #tpu.memory_space<vmem_shared>>
      %dma_start3A_17 = arith.constant 0 : i32
      %dma_start3A_18 = tpu.memref_slice %arg3[%mul3A_2, %dma_start3A_17] : memref<64x1000001xf32, #tpu.memory_space<hbm>> -> memref<1x1000001xf32, #tpu.memory_space<hbm>>
      %dma_start3A_19 = tpu.memref_squeeze %dma_start3A_18 : memref<1x1000001xf32, #tpu.memory_space<hbm>> -> memref<1000001xf32, #tpu.memory_space<hbm>>
      %dma_start3A_20 = arith.constant 0 : i32
      %dma_start3A_21 = tpu.memref_slice %dma_start3A_19[%dma_start3A_20] : memref<1000001xf32, #tpu.memory_space<hbm>> -> memref<999936xf32, #tpu.memory_space<hbm>>
      tpu.enqueue_dma source(%dma_start3A_21 : memref<999936xf32, #tpu.memory_space<hbm>>) target(%dma_start3A_16 : memref<999936xf32, #tpu.memory_space<vmem_shared>>) target_semaphore(%arg11 : memref<!tpu.dma_semaphore, #tpu.memory_space<semaphore_mem>>)
      %dma_start3A_22 = arith.constant 999936 : i32
      %dma_start3A_23 = tpu.memref_slice %arg9[%dma_start3A_22] : memref<1000064xf32, #tpu.memory_space<vmem_shared>> -> memref<128xf32, #tpu.memory_space<vmem_shared>>
      %dma_start3A_24 = arith.constant 0 : i32
      %dma_start3A_25 = tpu.memref_slice %arg4[%mul3A_2, %dma_start3A_24] : memref<64x128xf32, #tpu.memory_space<hbm>> -> memref<1x128xf32, #tpu.memory_space<hbm>>
      %dma_start3A_26 = tpu.memref_squeeze %dma_start3A_25 : memref<1x128xf32, #tpu.memory_space<hbm>> -> memref<128xf32, #tpu.memory_space<hbm>>
      tpu.enqueue_dma source(%dma_start3A_26 : memref<128xf32, #tpu.memory_space<hbm>>) target(%dma_start3A_23 : memref<128xf32, #tpu.memory_space<vmem_shared>>) target_semaphore(%arg11 : memref<!tpu.dma_semaphore, #tpu.memory_space<semaphore_mem>>)
    } else {
    }
    "tpu.region"() ({
      %run_scoped3A = tpu.sem_alloc : memref<!tpu.dma_semaphore, #tpu.memory_space<semaphore_mem>>
      %dma_start3A = tpu.memref_slice %arg2[%multiple_of3A] : memref<16384xi32, #tpu.memory_space<hbm>> -> memref<1024xi32, #tpu.memory_space<hbm>>
      %dma_start3A_16 = tpu.memref_slice %arg2[%multiple_of3A] : memref<16384xi32, #tpu.memory_space<hbm>> -> memref<1024xi32, #tpu.memory_space<hbm>>
      tpu.enqueue_dma source(%dma_start3A_16 : memref<1024xi32, #tpu.memory_space<hbm>>) target(%arg6 : memref<1024xi32, #tpu.memory_space<vmem>>) target_semaphore(%run_scoped3A : memref<!tpu.dma_semaphore, #tpu.memory_space<semaphore_mem>>)
      %dma_wait3A_17 = tpu.memref_slice %arg2[%multiple_of3A] : memref<16384xi32, #tpu.memory_space<hbm>> -> memref<1024xi32, #tpu.memory_space<hbm>>
      %dma_wait3A_18 = tpu.memref_slice %arg2[%multiple_of3A] : memref<16384xi32, #tpu.memory_space<hbm>> -> memref<1024xi32, #tpu.memory_space<hbm>>
      tpu.wait_dma2 semaphore(%run_scoped3A : memref<!tpu.dma_semaphore, #tpu.memory_space<semaphore_mem>>) src(%dma_wait3A_18 : memref<1024xi32, #tpu.memory_space<hbm>>) dst(%arg6 : memref<1024xi32, #tpu.memory_space<vmem>>)
      tpu.yield
    }) : () -> ()
    %scan3A = arith.constant 0 : i32
    %scan3A_5 = arith.constant 16 : i32
    %scan3A_6 = arith.addi %scan3A, %scan3A_5 : i32
    %scan3A_7 = arith.constant 1 : i32
    scf.for %scan3A_16 = %scan3A to %scan3A_6 step %scan3A_7  : i32 {
      %mul3A_17 = arith.constant 1 : i32
      %mul3A_18 = arith.muli %scan3A_16, %mul3A_17 : i32
      %add3A = arith.constant 0 : i32
      %add3A_19 = arith.addi %add3A, %mul3A_18 : i32
      %mul3A_20 = arith.constant 2 : i32
      %mul3A_21 = arith.muli %mul3A_20, %add3A_19 : i32
      %eq3A_22 = arith.constant 0 : i32
      %eq3A_23 = arith.cmpi eq, %arg1, %eq3A_22 : i32
      %convert_element_type3A_24 = arith.extui %eq3A_23 : i1 to i32
      %cond3A_25 = arith.constant 0 : i32
      %cond3A_26 = arith.cmpi ne, %convert_element_type3A_24, %cond3A_25 : i32
      scf.if %cond3A_26 {
        %dma_wait3A_265 = arith.constant 0 : i32
        %dma_wait3A_266 = arith.constant 0 : i32
        %dma_wait3A_267 = tpu.memref_slice %arg9[%dma_wait3A_266] : memref<1000064xf32, #tpu.memory_space<vmem_shared>> -> memref<999936xf32, #tpu.memory_space<vmem_shared>>
        %dma_wait3A_268 = arith.constant 0 : i32
        %dma_wait3A_269 = tpu.memref_slice %arg3[%dma_wait3A_265, %dma_wait3A_268] : memref<64x1000001xf32, #tpu.memory_space<hbm>> -> memref<1x1000001xf32, #tpu.memory_space<hbm>>
        %dma_wait3A_270 = tpu.memref_squeeze %dma_wait3A_269 : memref<1x1000001xf32, #tpu.memory_space<hbm>> -> memref<1000001xf32, #tpu.memory_space<hbm>>
        %dma_wait3A_271 = arith.constant 0 : i32
        %dma_wait3A_272 = tpu.memref_slice %dma_wait3A_270[%dma_wait3A_271] : memref<1000001xf32, #tpu.memory_space<hbm>> -> memref<999936xf32, #tpu.memory_space<hbm>>
        tpu.wait_dma2 semaphore(%arg11 : memref<!tpu.dma_semaphore, #tpu.memory_space<semaphore_mem>>) src(%dma_wait3A_272 : memref<999936xf32, #tpu.memory_space<hbm>>) dst(%dma_wait3A_267 : memref<999936xf32, #tpu.memory_space<vmem_shared>>)
        %dma_wait3A_273 = arith.constant 0 : i32
        %dma_wait3A_274 = arith.constant 999936 : i32
        %dma_wait3A_275 = tpu.memref_slice %arg9[%dma_wait3A_274] : memref<1000064xf32, #tpu.memory_space<vmem_shared>> -> memref<128xf32, #tpu.memory_space<vmem_shared>>
        %dma_wait3A_276 = arith.constant 0 : i32
        %dma_wait3A_277 = tpu.memref_slice %arg4[%dma_wait3A_273, %dma_wait3A_276] : memref<64x128xf32, #tpu.memory_space<hbm>> -> memref<1x128xf32, #tpu.memory_space<hbm>>
        %dma_wait3A_278 = tpu.memref_squeeze %dma_wait3A_277 : memref<1x128xf32, #tpu.memory_space<hbm>> -> memref<128xf32, #tpu.memory_space<hbm>>
        tpu.wait_dma2 semaphore(%arg11 : memref<!tpu.dma_semaphore, #tpu.memory_space<semaphore_mem>>) src(%dma_wait3A_278 : memref<128xf32, #tpu.memory_space<hbm>>) dst(%dma_wait3A_275 : memref<128xf32, #tpu.memory_space<vmem_shared>>)
      } else {
      }
      %barrier3A = arith.constant 0 : index
      tpu.barrier barrier_id(%barrier3A)
      %eq3A_27 = arith.constant 0 : i32
      %eq3A_28 = arith.cmpi eq, %arg1, %eq3A_27 : i32
      %add3A_29 = arith.constant 1 : i32
      %add3A_30 = arith.addi %mul3A_21, %add3A_29 : i32
      %lt3A = arith.constant 32 : i32
      %lt3A_31 = arith.cmpi slt, %add3A_30, %lt3A : i32
      %and3A = arith.andi %eq3A_28, %lt3A_31 : i1
      %convert_element_type3A_32 = arith.extui %and3A : i1 to i32
      %cond3A_33 = arith.constant 0 : i32
      %cond3A_34 = arith.cmpi ne, %convert_element_type3A_32, %cond3A_33 : i32
      scf.if %cond3A_34 {
        %add3A_265 = arith.addi %mul3A_2, %mul3A_21 : i32
        %add3A_266 = arith.constant 1 : i32
        %add3A_267 = arith.addi %add3A_265, %add3A_266 : i32
        %dma_start3A_268 = arith.constant 0 : i32
        %dma_start3A_269 = tpu.memref_slice %arg10[%dma_start3A_268] : memref<1000064xf32, #tpu.memory_space<vmem_shared>> -> memref<999936xf32, #tpu.memory_space<vmem_shared>>
        %dma_start3A_270 = arith.constant 0 : i32
        %dma_start3A_271 = tpu.memref_slice %arg3[%add3A_267, %dma_start3A_270] : memref<64x1000001xf32, #tpu.memory_space<hbm>> -> memref<1x1000001xf32, #tpu.memory_space<hbm>>
        %dma_start3A_272 = tpu.memref_squeeze %dma_start3A_271 : memref<1x1000001xf32, #tpu.memory_space<hbm>> -> memref<1000001xf32, #tpu.memory_space<hbm>>
        %dma_start3A_273 = arith.constant 0 : i32
        %dma_start3A_274 = tpu.memref_slice %dma_start3A_272[%dma_start3A_273] : memref<1000001xf32, #tpu.memory_space<hbm>> -> memref<999936xf32, #tpu.memory_space<hbm>>
        tpu.enqueue_dma source(%dma_start3A_274 : memref<999936xf32, #tpu.memory_space<hbm>>) target(%dma_start3A_269 : memref<999936xf32, #tpu.memory_space<vmem_shared>>) target_semaphore(%arg11 : memref<!tpu.dma_semaphore, #tpu.memory_space<semaphore_mem>>)
        %dma_start3A_275 = arith.constant 999936 : i32
        %dma_start3A_276 = tpu.memref_slice %arg10[%dma_start3A_275] : memref<1000064xf32, #tpu.memory_space<vmem_shared>> -> memref<128xf32, #tpu.memory_space<vmem_shared>>
        %dma_start3A_277 = arith.constant 0 : i32
        %dma_start3A_278 = tpu.memref_slice %arg4[%add3A_267, %dma_start3A_277] : memref<64x128xf32, #tpu.memory_space<hbm>> -> memref<1x128xf32, #tpu.memory_space<hbm>>
        %dma_start3A_279 = tpu.memref_squeeze %dma_start3A_278 : memref<1x128xf32, #tpu.memory_space<hbm>> -> memref<128xf32, #tpu.memory_space<hbm>>
        tpu.enqueue_dma source(%dma_start3A_279 : memref<128xf32, #tpu.memory_space<hbm>>) target(%dma_start3A_276 : memref<128xf32, #tpu.memory_space<vmem_shared>>) target_semaphore(%arg11 : memref<!tpu.dma_semaphore, #tpu.memory_space<semaphore_mem>>)
      } else {
      }
      %gt3A = arith.constant 0 : i32
      %gt3A_35 = arith.cmpi sgt, %add3A_19, %gt3A : i32
      %convert_element_type3A_36 = arith.extui %gt3A_35 : i1 to i32
      %cond3A_37 = arith.constant 0 : i32
      %cond3A_38 = arith.cmpi ne, %convert_element_type3A_36, %cond3A_37 : i32
      scf.if %cond3A_38 {
        %dma_wait3A_265 = arith.constant 0 : i32
        %dma_wait3A_266 = tpu.memref_slice %arg2[%dma_wait3A_265] : memref<16384xi32, #tpu.memory_space<hbm>> -> memref<1024xi32, #tpu.memory_space<hbm>>
        %dma_wait3A_267 = arith.constant 0 : i32
        %dma_wait3A_268 = tpu.memref_slice %arg2[%dma_wait3A_267] : memref<16384xi32, #tpu.memory_space<hbm>> -> memref<1024xi32, #tpu.memory_space<hbm>>
        tpu.wait_dma2 semaphore(%arg13 : memref<!tpu.dma_semaphore, #tpu.memory_space<semaphore_mem>>) src(%dma_wait3A_268 : memref<1024xi32, #tpu.memory_space<hbm>>) dst(%arg7 : memref<1024xf32, #tpu.memory_space<vmem>>)
      } else {
      }
      %dma_start3A = arith.constant 0 : i32
      %dma_start3A_39 = tpu.memref_slice %arg7[%dma_start3A] : memref<1024xf32, #tpu.memory_space<vmem>> -> memref<128xf32, #tpu.memory_space<vmem>>
      %dma_start3A_40 = arith.constant 0 : i32
      %dma_start3A_41 = tpu.memref_slice %arg6[%dma_start3A_40] : memref<1024xi32, #tpu.memory_space<vmem>> -> memref<128xi32, #tpu.memory_space<vmem>>
      %dma_start3A_42 = arith.constant 0 : i32
      %dma_start3A_43 = tpu.memref_slice %arg9[%dma_start3A_42] : memref<1000064xf32, #tpu.memory_space<vmem_shared>> -> memref<1000064xf32, #tpu.memory_space<vmem_shared>>
      tpu.enqueue_indirect_dma source(%dma_start3A_43 : memref<1000064xf32, #tpu.memory_space<vmem_shared>>) target(%dma_start3A_39 : memref<128xf32, #tpu.memory_space<vmem>>) offsets(%dma_start3A_41 : memref<128xi32, #tpu.memory_space<vmem>>) semaphore(%arg12 : memref<!tpu.dma_semaphore, #tpu.memory_space<semaphore_mem>>)
      %dma_start3A_44 = arith.constant 128 : i32
      %dma_start3A_45 = tpu.memref_slice %arg7[%dma_start3A_44] : memref<1024xf32, #tpu.memory_space<vmem>> -> memref<128xf32, #tpu.memory_space<vmem>>
      %dma_start3A_46 = arith.constant 128 : i32
      %dma_start3A_47 = tpu.memref_slice %arg6[%dma_start3A_46] : memref<1024xi32, #tpu.memory_space<vmem>> -> memref<128xi32, #tpu.memory_space<vmem>>
      %dma_start3A_48 = arith.constant 0 : i32
      %dma_start3A_49 = tpu.memref_slice %arg9[%dma_start3A_48] : memref<1000064xf32, #tpu.memory_space<vmem_shared>> -> memref<1000064xf32, #tpu.memory_space<vmem_shared>>
      tpu.enqueue_indirect_dma source(%dma_start3A_49 : memref<1000064xf32, #tpu.memory_space<vmem_shared>>) target(%dma_start3A_45 : memref<128xf32, #tpu.memory_space<vmem>>) offsets(%dma_start3A_47 : memref<128xi32, #tpu.memory_space<vmem>>) semaphore(%arg12 : memref<!tpu.dma_semaphore, #tpu.memory_space<semaphore_mem>>)
      %dma_start3A_50 = arith.constant 256 : i32
      %dma_start3A_51 = tpu.memref_slice %arg7[%dma_start3A_50] : memref<1024xf32, #tpu.memory_space<vmem>> -> memref<128xf32, #tpu.memory_space<vmem>>
      %dma_start3A_52 = arith.constant 256 : i32
      %dma_start3A_53 = tpu.memref_slice %arg6[%dma_start3A_52] : memref<1024xi32, #tpu.memory_space<vmem>> -> memref<128xi32, #tpu.memory_space<vmem>>
      %dma_start3A_54 = arith.constant 0 : i32
      %dma_start3A_55 = tpu.memref_slice %arg9[%dma_start3A_54] : memref<1000064xf32, #tpu.memory_space<vmem_shared>> -> memref<1000064xf32, #tpu.memory_space<vmem_shared>>
      tpu.enqueue_indirect_dma source(%dma_start3A_55 : memref<1000064xf32, #tpu.memory_space<vmem_shared>>) target(%dma_start3A_51 : memref<128xf32, #tpu.memory_space<vmem>>) offsets(%dma_start3A_53 : memref<128xi32, #tpu.memory_space<vmem>>) semaphore(%arg12 : memref<!tpu.dma_semaphore, #tpu.memory_space<semaphore_mem>>)
      %dma_start3A_56 = arith.constant 384 : i32
      %dma_start3A_57 = tpu.memref_slice %arg7[%dma_start3A_56] : memref<1024xf32, #tpu.memory_space<vmem>> -> memref<128xf32, #tpu.memory_space<vmem>>
      %dma_start3A_58 = arith.constant 384 : i32
      %dma_start3A_59 = tpu.memref_slice %arg6[%dma_start3A_58] : memref<1024xi32, #tpu.memory_space<vmem>> -> memref<128xi32, #tpu.memory_space<vmem>>
      %dma_start3A_60 = arith.constant 0 : i32
      %dma_start3A_61 = tpu.memref_slice %arg9[%dma_start3A_60] : memref<1000064xf32, #tpu.memory_space<vmem_shared>> -> memref<1000064xf32, #tpu.memory_space<vmem_shared>>
      tpu.enqueue_indirect_dma source(%dma_start3A_61 : memref<1000064xf32, #tpu.memory_space<vmem_shared>>) target(%dma_start3A_57 : memref<128xf32, #tpu.memory_space<vmem>>) offsets(%dma_start3A_59 : memref<128xi32, #tpu.memory_space<vmem>>) semaphore(%arg12 : memref<!tpu.dma_semaphore, #tpu.memory_space<semaphore_mem>>)
      %dma_start3A_62 = arith.constant 512 : i32
      %dma_start3A_63 = tpu.memref_slice %arg7[%dma_start3A_62] : memref<1024xf32, #tpu.memory_space<vmem>> -> memref<128xf32, #tpu.memory_space<vmem>>
      %dma_start3A_64 = arith.constant 512 : i32
      %dma_start3A_65 = tpu.memref_slice %arg6[%dma_start3A_64] : memref<1024xi32, #tpu.memory_space<vmem>> -> memref<128xi32, #tpu.memory_space<vmem>>
      %dma_start3A_66 = arith.constant 0 : i32
      %dma_start3A_67 = tpu.memref_slice %arg9[%dma_start3A_66] : memref<1000064xf32, #tpu.memory_space<vmem_shared>> -> memref<1000064xf32, #tpu.memory_space<vmem_shared>>
      tpu.enqueue_indirect_dma source(%dma_start3A_67 : memref<1000064xf32, #tpu.memory_space<vmem_shared>>) target(%dma_start3A_63 : memref<128xf32, #tpu.memory_space<vmem>>) offsets(%dma_start3A_65 : memref<128xi32, #tpu.memory_space<vmem>>) semaphore(%arg12 : memref<!tpu.dma_semaphore, #tpu.memory_space<semaphore_mem>>)
      %dma_start3A_68 = arith.constant 640 : i32
      %dma_start3A_69 = tpu.memref_slice %arg7[%dma_start3A_68] : memref<1024xf32, #tpu.memory_space<vmem>> -> memref<128xf32, #tpu.memory_space<vmem>>
      %dma_start3A_70 = arith.constant 640 : i32
      %dma_start3A_71 = tpu.memref_slice %arg6[%dma_start3A_70] : memref<1024xi32, #tpu.memory_space<vmem>> -> memref<128xi32, #tpu.memory_space<vmem>>
      %dma_start3A_72 = arith.constant 0 : i32
      %dma_start3A_73 = tpu.memref_slice %arg9[%dma_start3A_72] : memref<1000064xf32, #tpu.memory_space<vmem_shared>> -> memref<1000064xf32, #tpu.memory_space<vmem_shared>>
      tpu.enqueue_indirect_dma source(%dma_start3A_73 : memref<1000064xf32, #tpu.memory_space<vmem_shared>>) target(%dma_start3A_69 : memref<128xf32, #tpu.memory_space<vmem>>) offsets(%dma_start3A_71 : memref<128xi32, #tpu.memory_space<vmem>>) semaphore(%arg12 : memref<!tpu.dma_semaphore, #tpu.memory_space<semaphore_mem>>)
      %dma_start3A_74 = arith.constant 768 : i32
      %dma_start3A_75 = tpu.memref_slice %arg7[%dma_start3A_74] : memref<1024xf32, #tpu.memory_space<vmem>> -> memref<128xf32, #tpu.memory_space<vmem>>
      %dma_start3A_76 = arith.constant 768 : i32
      %dma_start3A_77 = tpu.memref_slice %arg6[%dma_start3A_76] : memref<1024xi32, #tpu.memory_space<vmem>> -> memref<128xi32, #tpu.memory_space<vmem>>
      %dma_start3A_78 = arith.constant 0 : i32
      %dma_start3A_79 = tpu.memref_slice %arg9[%dma_start3A_78] : memref<1000064xf32, #tpu.memory_space<vmem_shared>> -> memref<1000064xf32, #tpu.memory_space<vmem_shared>>
      tpu.enqueue_indirect_dma source(%dma_start3A_79 : memref<1000064xf32, #tpu.memory_space<vmem_shared>>) target(%dma_start3A_75 : memref<128xf32, #tpu.memory_space<vmem>>) offsets(%dma_start3A_77 : memref<128xi32, #tpu.memory_space<vmem>>) semaphore(%arg12 : memref<!tpu.dma_semaphore, #tpu.memory_space<semaphore_mem>>)
      %dma_start3A_80 = arith.constant 896 : i32
      %dma_start3A_81 = tpu.memref_slice %arg7[%dma_start3A_80] : memref<1024xf32, #tpu.memory_space<vmem>> -> memref<128xf32, #tpu.memory_space<vmem>>
      %dma_start3A_82 = arith.constant 896 : i32
      %dma_start3A_83 = tpu.memref_slice %arg6[%dma_start3A_82] : memref<1024xi32, #tpu.memory_space<vmem>> -> memref<128xi32, #tpu.memory_space<vmem>>
      %dma_start3A_84 = arith.constant 0 : i32
      %dma_start3A_85 = tpu.memref_slice %arg9[%dma_start3A_84] : memref<1000064xf32, #tpu.memory_space<vmem_shared>> -> memref<1000064xf32, #tpu.memory_space<vmem_shared>>
      tpu.enqueue_indirect_dma source(%dma_start3A_85 : memref<1000064xf32, #tpu.memory_space<vmem_shared>>) target(%dma_start3A_81 : memref<128xf32, #tpu.memory_space<vmem>>) offsets(%dma_start3A_83 : memref<128xi32, #tpu.memory_space<vmem>>) semaphore(%arg12 : memref<!tpu.dma_semaphore, #tpu.memory_space<semaphore_mem>>)
      %dma_wait3A_86 = arith.constant 0 : i32
      %dma_wait3A_87 = tpu.memref_slice %arg7[%dma_wait3A_86] : memref<1024xf32, #tpu.memory_space<vmem>> -> memref<128xf32, #tpu.memory_space<vmem>>
      %dma_wait3A_88 = arith.constant 0 : i32
      %dma_wait3A_89 = tpu.memref_slice %arg6[%dma_wait3A_88] : memref<1024xi32, #tpu.memory_space<vmem>> -> memref<128xi32, #tpu.memory_space<vmem>>
      %dma_wait3A_90 = arith.constant 0 : i32
      %dma_wait3A_91 = tpu.memref_slice %arg9[%dma_wait3A_90] : memref<1000064xf32, #tpu.memory_space<vmem_shared>> -> memref<1000064xf32, #tpu.memory_space<vmem_shared>>
      tpu.wait_indirect_dma semaphore(%arg12 : memref<!tpu.dma_semaphore, #tpu.memory_space<semaphore_mem>>) src(%dma_wait3A_91 : memref<1000064xf32, #tpu.memory_space<vmem_shared>>) dst(%dma_wait3A_87 : memref<128xf32, #tpu.memory_space<vmem>>)
      %dma_wait3A_92 = arith.constant 128 : i32
      %dma_wait3A_93 = tpu.memref_slice %arg7[%dma_wait3A_92] : memref<1024xf32, #tpu.memory_space<vmem>> -> memref<128xf32, #tpu.memory_space<vmem>>
      %dma_wait3A_94 = arith.constant 128 : i32
      %dma_wait3A_95 = tpu.memref_slice %arg6[%dma_wait3A_94] : memref<1024xi32, #tpu.memory_space<vmem>> -> memref<128xi32, #tpu.memory_space<vmem>>
      %dma_wait3A_96 = arith.constant 0 : i32
      %dma_wait3A_97 = tpu.memref_slice %arg9[%dma_wait3A_96] : memref<1000064xf32, #tpu.memory_space<vmem_shared>> -> memref<1000064xf32, #tpu.memory_space<vmem_shared>>
      tpu.wait_indirect_dma semaphore(%arg12 : memref<!tpu.dma_semaphore, #tpu.memory_space<semaphore_mem>>) src(%dma_wait3A_97 : memref<1000064xf32, #tpu.memory_space<vmem_shared>>) dst(%dma_wait3A_93 : memref<128xf32, #tpu.memory_space<vmem>>)
      %dma_wait3A_98 = arith.constant 256 : i32
      %dma_wait3A_99 = tpu.memref_slice %arg7[%dma_wait3A_98] : memref<1024xf32, #tpu.memory_space<vmem>> -> memref<128xf32, #tpu.memory_space<vmem>>
      %dma_wait3A_100 = arith.constant 256 : i32
      %dma_wait3A_101 = tpu.memref_slice %arg6[%dma_wait3A_100] : memref<1024xi32, #tpu.memory_space<vmem>> -> memref<128xi32, #tpu.memory_space<vmem>>
      %dma_wait3A_102 = arith.constant 0 : i32
      %dma_wait3A_103 = tpu.memref_slice %arg9[%dma_wait3A_102] : memref<1000064xf32, #tpu.memory_space<vmem_shared>> -> memref<1000064xf32, #tpu.memory_space<vmem_shared>>
      tpu.wait_indirect_dma semaphore(%arg12 : memref<!tpu.dma_semaphore, #tpu.memory_space<semaphore_mem>>) src(%dma_wait3A_103 : memref<1000064xf32, #tpu.memory_space<vmem_shared>>) dst(%dma_wait3A_99 : memref<128xf32, #tpu.memory_space<vmem>>)
      %dma_wait3A_104 = arith.constant 384 : i32
      %dma_wait3A_105 = tpu.memref_slice %arg7[%dma_wait3A_104] : memref<1024xf32, #tpu.memory_space<vmem>> -> memref<128xf32, #tpu.memory_space<vmem>>
      %dma_wait3A_106 = arith.constant 384 : i32
      %dma_wait3A_107 = tpu.memref_slice %arg6[%dma_wait3A_106] : memref<1024xi32, #tpu.memory_space<vmem>> -> memref<128xi32, #tpu.memory_space<vmem>>
      %dma_wait3A_108 = arith.constant 0 : i32
      %dma_wait3A_109 = tpu.memref_slice %arg9[%dma_wait3A_108] : memref<1000064xf32, #tpu.memory_space<vmem_shared>> -> memref<1000064xf32, #tpu.memory_space<vmem_shared>>
      tpu.wait_indirect_dma semaphore(%arg12 : memref<!tpu.dma_semaphore, #tpu.memory_space<semaphore_mem>>) src(%dma_wait3A_109 : memref<1000064xf32, #tpu.memory_space<vmem_shared>>) dst(%dma_wait3A_105 : memref<128xf32, #tpu.memory_space<vmem>>)
      %dma_wait3A_110 = arith.constant 512 : i32
      %dma_wait3A_111 = tpu.memref_slice %arg7[%dma_wait3A_110] : memref<1024xf32, #tpu.memory_space<vmem>> -> memref<128xf32, #tpu.memory_space<vmem>>
      %dma_wait3A_112 = arith.constant 512 : i32
      %dma_wait3A_113 = tpu.memref_slice %arg6[%dma_wait3A_112] : memref<1024xi32, #tpu.memory_space<vmem>> -> memref<128xi32, #tpu.memory_space<vmem>>
      %dma_wait3A_114 = arith.constant 0 : i32
      %dma_wait3A_115 = tpu.memref_slice %arg9[%dma_wait3A_114] : memref<1000064xf32, #tpu.memory_space<vmem_shared>> -> memref<1000064xf32, #tpu.memory_space<vmem_shared>>
      tpu.wait_indirect_dma semaphore(%arg12 : memref<!tpu.dma_semaphore, #tpu.memory_space<semaphore_mem>>) src(%dma_wait3A_115 : memref<1000064xf32, #tpu.memory_space<vmem_shared>>) dst(%dma_wait3A_111 : memref<128xf32, #tpu.memory_space<vmem>>)
      %dma_wait3A_116 = arith.constant 640 : i32
      %dma_wait3A_117 = tpu.memref_slice %arg7[%dma_wait3A_116] : memref<1024xf32, #tpu.memory_space<vmem>> -> memref<128xf32, #tpu.memory_space<vmem>>
      %dma_wait3A_118 = arith.constant 640 : i32
      %dma_wait3A_119 = tpu.memref_slice %arg6[%dma_wait3A_118] : memref<1024xi32, #tpu.memory_space<vmem>> -> memref<128xi32, #tpu.memory_space<vmem>>
      %dma_wait3A_120 = arith.constant 0 : i32
      %dma_wait3A_121 = tpu.memref_slice %arg9[%dma_wait3A_120] : memref<1000064xf32, #tpu.memory_space<vmem_shared>> -> memref<1000064xf32, #tpu.memory_space<vmem_shared>>
      tpu.wait_indirect_dma semaphore(%arg12 : memref<!tpu.dma_semaphore, #tpu.memory_space<semaphore_mem>>) src(%dma_wait3A_121 : memref<1000064xf32, #tpu.memory_space<vmem_shared>>) dst(%dma_wait3A_117 : memref<128xf32, #tpu.memory_space<vmem>>)
      %dma_wait3A_122 = arith.constant 768 : i32
      %dma_wait3A_123 = tpu.memref_slice %arg7[%dma_wait3A_122] : memref<1024xf32, #tpu.memory_space<vmem>> -> memref<128xf32, #tpu.memory_space<vmem>>
      %dma_wait3A_124 = arith.constant 768 : i32
      %dma_wait3A_125 = tpu.memref_slice %arg6[%dma_wait3A_124] : memref<1024xi32, #tpu.memory_space<vmem>> -> memref<128xi32, #tpu.memory_space<vmem>>
      %dma_wait3A_126 = arith.constant 0 : i32
      %dma_wait3A_127 = tpu.memref_slice %arg9[%dma_wait3A_126] : memref<1000064xf32, #tpu.memory_space<vmem_shared>> -> memref<1000064xf32, #tpu.memory_space<vmem_shared>>
      tpu.wait_indirect_dma semaphore(%arg12 : memref<!tpu.dma_semaphore, #tpu.memory_space<semaphore_mem>>) src(%dma_wait3A_127 : memref<1000064xf32, #tpu.memory_space<vmem_shared>>) dst(%dma_wait3A_123 : memref<128xf32, #tpu.memory_space<vmem>>)
      %dma_wait3A_128 = arith.constant 896 : i32
      %dma_wait3A_129 = tpu.memref_slice %arg7[%dma_wait3A_128] : memref<1024xf32, #tpu.memory_space<vmem>> -> memref<128xf32, #tpu.memory_space<vmem>>
      %dma_wait3A_130 = arith.constant 896 : i32
      %dma_wait3A_131 = tpu.memref_slice %arg6[%dma_wait3A_130] : memref<1024xi32, #tpu.memory_space<vmem>> -> memref<128xi32, #tpu.memory_space<vmem>>
      %dma_wait3A_132 = arith.constant 0 : i32
      %dma_wait3A_133 = tpu.memref_slice %arg9[%dma_wait3A_132] : memref<1000064xf32, #tpu.memory_space<vmem_shared>> -> memref<1000064xf32, #tpu.memory_space<vmem_shared>>
      tpu.wait_indirect_dma semaphore(%arg12 : memref<!tpu.dma_semaphore, #tpu.memory_space<semaphore_mem>>) src(%dma_wait3A_133 : memref<1000064xf32, #tpu.memory_space<vmem_shared>>) dst(%dma_wait3A_129 : memref<128xf32, #tpu.memory_space<vmem>>)
      %add3A_134 = arith.addi %mul3A_2, %mul3A_21 : i32
      %dma_start3A_135 = tpu.memref_slice %arg5[%add3A_134, %multiple_of3A] : memref<64x16384xf32, #tpu.memory_space<hbm>> -> memref<1x1024xf32, #tpu.memory_space<hbm>>
      %dma_start3A_136 = tpu.memref_squeeze %dma_start3A_135 : memref<1x1024xf32, #tpu.memory_space<hbm>> -> memref<1024xf32, #tpu.memory_space<hbm>>
      %dma_start3A_137 = tpu.memref_slice %arg5[%add3A_134, %multiple_of3A] : memref<64x16384xf32, #tpu.memory_space<hbm>> -> memref<1x1024xf32, #tpu.memory_space<hbm>>
      %dma_start3A_138 = tpu.memref_squeeze %dma_start3A_137 : memref<1x1024xf32, #tpu.memory_space<hbm>> -> memref<1024xf32, #tpu.memory_space<hbm>>
      tpu.enqueue_dma source(%arg7 : memref<1024xf32, #tpu.memory_space<vmem>>) target(%dma_start3A_138 : memref<1024xf32, #tpu.memory_space<hbm>>) target_semaphore(%arg13 : memref<!tpu.dma_semaphore, #tpu.memory_space<semaphore_mem>>)
      %mul3A_139 = arith.constant 2 : i32
      %mul3A_140 = arith.muli %mul3A_139, %add3A_19 : i32
      %add3A_141 = arith.constant 1 : i32
      %add3A_142 = arith.addi %mul3A_140, %add3A_141 : i32
      %eq3A_143 = arith.constant 0 : i32
      %eq3A_144 = arith.cmpi eq, %arg1, %eq3A_143 : i32
      %convert_element_type3A_145 = arith.extui %eq3A_144 : i1 to i32
      %cond3A_146 = arith.constant 0 : i32
      %cond3A_147 = arith.cmpi ne, %convert_element_type3A_145, %cond3A_146 : i32
      scf.if %cond3A_147 {
        %dma_wait3A_265 = arith.constant 0 : i32
        %dma_wait3A_266 = arith.constant 0 : i32
        %dma_wait3A_267 = tpu.memref_slice %arg9[%dma_wait3A_266] : memref<1000064xf32, #tpu.memory_space<vmem_shared>> -> memref<999936xf32, #tpu.memory_space<vmem_shared>>
        %dma_wait3A_268 = arith.constant 0 : i32
        %dma_wait3A_269 = tpu.memref_slice %arg3[%dma_wait3A_265, %dma_wait3A_268] : memref<64x1000001xf32, #tpu.memory_space<hbm>> -> memref<1x1000001xf32, #tpu.memory_space<hbm>>
        %dma_wait3A_270 = tpu.memref_squeeze %dma_wait3A_269 : memref<1x1000001xf32, #tpu.memory_space<hbm>> -> memref<1000001xf32, #tpu.memory_space<hbm>>
        %dma_wait3A_271 = arith.constant 0 : i32
        %dma_wait3A_272 = tpu.memref_slice %dma_wait3A_270[%dma_wait3A_271] : memref<1000001xf32, #tpu.memory_space<hbm>> -> memref<999936xf32, #tpu.memory_space<hbm>>
        tpu.wait_dma2 semaphore(%arg11 : memref<!tpu.dma_semaphore, #tpu.memory_space<semaphore_mem>>) src(%dma_wait3A_272 : memref<999936xf32, #tpu.memory_space<hbm>>) dst(%dma_wait3A_267 : memref<999936xf32, #tpu.memory_space<vmem_shared>>)
        %dma_wait3A_273 = arith.constant 0 : i32
        %dma_wait3A_274 = arith.constant 999936 : i32
        %dma_wait3A_275 = tpu.memref_slice %arg9[%dma_wait3A_274] : memref<1000064xf32, #tpu.memory_space<vmem_shared>> -> memref<128xf32, #tpu.memory_space<vmem_shared>>
        %dma_wait3A_276 = arith.constant 0 : i32
        %dma_wait3A_277 = tpu.memref_slice %arg4[%dma_wait3A_273, %dma_wait3A_276] : memref<64x128xf32, #tpu.memory_space<hbm>> -> memref<1x128xf32, #tpu.memory_space<hbm>>
        %dma_wait3A_278 = tpu.memref_squeeze %dma_wait3A_277 : memref<1x128xf32, #tpu.memory_space<hbm>> -> memref<128xf32, #tpu.memory_space<hbm>>
        tpu.wait_dma2 semaphore(%arg11 : memref<!tpu.dma_semaphore, #tpu.memory_space<semaphore_mem>>) src(%dma_wait3A_278 : memref<128xf32, #tpu.memory_space<hbm>>) dst(%dma_wait3A_275 : memref<128xf32, #tpu.memory_space<vmem_shared>>)
      } else {
      }
      %barrier3A_148 = arith.constant 0 : index
      tpu.barrier barrier_id(%barrier3A_148)
      %eq3A_149 = arith.constant 0 : i32
      %eq3A_150 = arith.cmpi eq, %arg1, %eq3A_149 : i32
      %add3A_151 = arith.constant 1 : i32
      %add3A_152 = arith.addi %add3A_142, %add3A_151 : i32
      %lt3A_153 = arith.constant 32 : i32
      %lt3A_154 = arith.cmpi slt, %add3A_152, %lt3A_153 : i32
      %and3A_155 = arith.andi %eq3A_150, %lt3A_154 : i1
      %convert_element_type3A_156 = arith.extui %and3A_155 : i1 to i32
      %cond3A_157 = arith.constant 0 : i32
      %cond3A_158 = arith.cmpi ne, %convert_element_type3A_156, %cond3A_157 : i32
      scf.if %cond3A_158 {
        %add3A_265 = arith.addi %mul3A_2, %add3A_142 : i32
        %add3A_266 = arith.constant 1 : i32
        %add3A_267 = arith.addi %add3A_265, %add3A_266 : i32
        %dma_start3A_268 = arith.constant 0 : i32
        %dma_start3A_269 = tpu.memref_slice %arg9[%dma_start3A_268] : memref<1000064xf32, #tpu.memory_space<vmem_shared>> -> memref<999936xf32, #tpu.memory_space<vmem_shared>>
        %dma_start3A_270 = arith.constant 0 : i32
        %dma_start3A_271 = tpu.memref_slice %arg3[%add3A_267, %dma_start3A_270] : memref<64x1000001xf32, #tpu.memory_space<hbm>> -> memref<1x1000001xf32, #tpu.memory_space<hbm>>
        %dma_start3A_272 = tpu.memref_squeeze %dma_start3A_271 : memref<1x1000001xf32, #tpu.memory_space<hbm>> -> memref<1000001xf32, #tpu.memory_space<hbm>>
        %dma_start3A_273 = arith.constant 0 : i32
        %dma_start3A_274 = tpu.memref_slice %dma_start3A_272[%dma_start3A_273] : memref<1000001xf32, #tpu.memory_space<hbm>> -> memref<999936xf32, #tpu.memory_space<hbm>>
        tpu.enqueue_dma source(%dma_start3A_274 : memref<999936xf32, #tpu.memory_space<hbm>>) target(%dma_start3A_269 : memref<999936xf32, #tpu.memory_space<vmem_shared>>) target_semaphore(%arg11 : memref<!tpu.dma_semaphore, #tpu.memory_space<semaphore_mem>>)
        %dma_start3A_275 = arith.constant 999936 : i32
        %dma_start3A_276 = tpu.memref_slice %arg9[%dma_start3A_275] : memref<1000064xf32, #tpu.memory_space<vmem_shared>> -> memref<128xf32, #tpu.memory_space<vmem_shared>>
        %dma_start3A_277 = arith.constant 0 : i32
        %dma_start3A_278 = tpu.memref_slice %arg4[%add3A_267, %dma_start3A_277] : memref<64x128xf32, #tpu.memory_space<hbm>> -> memref<1x128xf32, #tpu.memory_space<hbm>>
        %dma_start3A_279 = tpu.memref_squeeze %dma_start3A_278 : memref<1x128xf32, #tpu.memory_space<hbm>> -> memref<128xf32, #tpu.memory_space<hbm>>
        tpu.enqueue_dma source(%dma_start3A_279 : memref<128xf32, #tpu.memory_space<hbm>>) target(%dma_start3A_276 : memref<128xf32, #tpu.memory_space<vmem_shared>>) target_semaphore(%arg11 : memref<!tpu.dma_semaphore, #tpu.memory_space<semaphore_mem>>)
      } else {
      }
      %gt3A_159 = arith.constant 0 : i32
      %gt3A_160 = arith.cmpi sgt, %add3A_19, %gt3A_159 : i32
      %convert_element_type3A_161 = arith.extui %gt3A_160 : i1 to i32
      %cond3A_162 = arith.constant 0 : i32
      %cond3A_163 = arith.cmpi ne, %convert_element_type3A_161, %cond3A_162 : i32
      scf.if %cond3A_163 {
        %dma_wait3A_265 = arith.constant 0 : i32
        %dma_wait3A_266 = tpu.memref_slice %arg2[%dma_wait3A_265] : memref<16384xi32, #tpu.memory_space<hbm>> -> memref<1024xi32, #tpu.memory_space<hbm>>
        %dma_wait3A_267 = arith.constant 0 : i32
        %dma_wait3A_268 = tpu.memref_slice %arg2[%dma_wait3A_267] : memref<16384xi32, #tpu.memory_space<hbm>> -> memref<1024xi32, #tpu.memory_space<hbm>>
        tpu.wait_dma2 semaphore(%arg13 : memref<!tpu.dma_semaphore, #tpu.memory_space<semaphore_mem>>) src(%dma_wait3A_268 : memref<1024xi32, #tpu.memory_space<hbm>>) dst(%arg8 : memref<1024xf32, #tpu.memory_space<vmem>>)
      } else {
      }
      %dma_start3A_164 = arith.constant 0 : i32
      %dma_start3A_165 = tpu.memref_slice %arg8[%dma_start3A_164] : memref<1024xf32, #tpu.memory_space<vmem>> -> memref<128xf32, #tpu.memory_space<vmem>>
      %dma_start3A_166 = arith.constant 0 : i32
      %dma_start3A_167 = tpu.memref_slice %arg6[%dma_start3A_166] : memref<1024xi32, #tpu.memory_space<vmem>> -> memref<128xi32, #tpu.memory_space<vmem>>
      %dma_start3A_168 = arith.constant 0 : i32
      %dma_start3A_169 = tpu.memref_slice %arg10[%dma_start3A_168] : memref<1000064xf32, #tpu.memory_space<vmem_shared>> -> memref<1000064xf32, #tpu.memory_space<vmem_shared>>
      tpu.enqueue_indirect_dma source(%dma_start3A_169 : memref<1000064xf32, #tpu.memory_space<vmem_shared>>) target(%dma_start3A_165 : memref<128xf32, #tpu.memory_space<vmem>>) offsets(%dma_start3A_167 : memref<128xi32, #tpu.memory_space<vmem>>) semaphore(%arg12 : memref<!tpu.dma_semaphore, #tpu.memory_space<semaphore_mem>>)
      %dma_start3A_170 = arith.constant 128 : i32
      %dma_start3A_171 = tpu.memref_slice %arg8[%dma_start3A_170] : memref<1024xf32, #tpu.memory_space<vmem>> -> memref<128xf32, #tpu.memory_space<vmem>>
      %dma_start3A_172 = arith.constant 128 : i32
      %dma_start3A_173 = tpu.memref_slice %arg6[%dma_start3A_172] : memref<1024xi32, #tpu.memory_space<vmem>> -> memref<128xi32, #tpu.memory_space<vmem>>
      %dma_start3A_174 = arith.constant 0 : i32
      %dma_start3A_175 = tpu.memref_slice %arg10[%dma_start3A_174] : memref<1000064xf32, #tpu.memory_space<vmem_shared>> -> memref<1000064xf32, #tpu.memory_space<vmem_shared>>
      tpu.enqueue_indirect_dma source(%dma_start3A_175 : memref<1000064xf32, #tpu.memory_space<vmem_shared>>) target(%dma_start3A_171 : memref<128xf32, #tpu.memory_space<vmem>>) offsets(%dma_start3A_173 : memref<128xi32, #tpu.memory_space<vmem>>) semaphore(%arg12 : memref<!tpu.dma_semaphore, #tpu.memory_space<semaphore_mem>>)
      %dma_start3A_176 = arith.constant 256 : i32
      %dma_start3A_177 = tpu.memref_slice %arg8[%dma_start3A_176] : memref<1024xf32, #tpu.memory_space<vmem>> -> memref<128xf32, #tpu.memory_space<vmem>>
      %dma_start3A_178 = arith.constant 256 : i32
      %dma_start3A_179 = tpu.memref_slice %arg6[%dma_start3A_178] : memref<1024xi32, #tpu.memory_space<vmem>> -> memref<128xi32, #tpu.memory_space<vmem>>
      %dma_start3A_180 = arith.constant 0 : i32
      %dma_start3A_181 = tpu.memref_slice %arg10[%dma_start3A_180] : memref<1000064xf32, #tpu.memory_space<vmem_shared>> -> memref<1000064xf32, #tpu.memory_space<vmem_shared>>
      tpu.enqueue_indirect_dma source(%dma_start3A_181 : memref<1000064xf32, #tpu.memory_space<vmem_shared>>) target(%dma_start3A_177 : memref<128xf32, #tpu.memory_space<vmem>>) offsets(%dma_start3A_179 : memref<128xi32, #tpu.memory_space<vmem>>) semaphore(%arg12 : memref<!tpu.dma_semaphore, #tpu.memory_space<semaphore_mem>>)
      %dma_start3A_182 = arith.constant 384 : i32
      %dma_start3A_183 = tpu.memref_slice %arg8[%dma_start3A_182] : memref<1024xf32, #tpu.memory_space<vmem>> -> memref<128xf32, #tpu.memory_space<vmem>>
      %dma_start3A_184 = arith.constant 384 : i32
      %dma_start3A_185 = tpu.memref_slice %arg6[%dma_start3A_184] : memref<1024xi32, #tpu.memory_space<vmem>> -> memref<128xi32, #tpu.memory_space<vmem>>
      %dma_start3A_186 = arith.constant 0 : i32
      %dma_start3A_187 = tpu.memref_slice %arg10[%dma_start3A_186] : memref<1000064xf32, #tpu.memory_space<vmem_shared>> -> memref<1000064xf32, #tpu.memory_space<vmem_shared>>
      tpu.enqueue_indirect_dma source(%dma_start3A_187 : memref<1000064xf32, #tpu.memory_space<vmem_shared>>) target(%dma_start3A_183 : memref<128xf32, #tpu.memory_space<vmem>>) offsets(%dma_start3A_185 : memref<128xi32, #tpu.memory_space<vmem>>) semaphore(%arg12 : memref<!tpu.dma_semaphore, #tpu.memory_space<semaphore_mem>>)
      %dma_start3A_188 = arith.constant 512 : i32
      %dma_start3A_189 = tpu.memref_slice %arg8[%dma_start3A_188] : memref<1024xf32, #tpu.memory_space<vmem>> -> memref<128xf32, #tpu.memory_space<vmem>>
      %dma_start3A_190 = arith.constant 512 : i32
      %dma_start3A_191 = tpu.memref_slice %arg6[%dma_start3A_190] : memref<1024xi32, #tpu.memory_space<vmem>> -> memref<128xi32, #tpu.memory_space<vmem>>
      %dma_start3A_192 = arith.constant 0 : i32
      %dma_start3A_193 = tpu.memref_slice %arg10[%dma_start3A_192] : memref<1000064xf32, #tpu.memory_space<vmem_shared>> -> memref<1000064xf32, #tpu.memory_space<vmem_shared>>
      tpu.enqueue_indirect_dma source(%dma_start3A_193 : memref<1000064xf32, #tpu.memory_space<vmem_shared>>) target(%dma_start3A_189 : memref<128xf32, #tpu.memory_space<vmem>>) offsets(%dma_start3A_191 : memref<128xi32, #tpu.memory_space<vmem>>) semaphore(%arg12 : memref<!tpu.dma_semaphore, #tpu.memory_space<semaphore_mem>>)
      %dma_start3A_194 = arith.constant 640 : i32
      %dma_start3A_195 = tpu.memref_slice %arg8[%dma_start3A_194] : memref<1024xf32, #tpu.memory_space<vmem>> -> memref<128xf32, #tpu.memory_space<vmem>>
      %dma_start3A_196 = arith.constant 640 : i32
      %dma_start3A_197 = tpu.memref_slice %arg6[%dma_start3A_196] : memref<1024xi32, #tpu.memory_space<vmem>> -> memref<128xi32, #tpu.memory_space<vmem>>
      %dma_start3A_198 = arith.constant 0 : i32
      %dma_start3A_199 = tpu.memref_slice %arg10[%dma_start3A_198] : memref<1000064xf32, #tpu.memory_space<vmem_shared>> -> memref<1000064xf32, #tpu.memory_space<vmem_shared>>
      tpu.enqueue_indirect_dma source(%dma_start3A_199 : memref<1000064xf32, #tpu.memory_space<vmem_shared>>) target(%dma_start3A_195 : memref<128xf32, #tpu.memory_space<vmem>>) offsets(%dma_start3A_197 : memref<128xi32, #tpu.memory_space<vmem>>) semaphore(%arg12 : memref<!tpu.dma_semaphore, #tpu.memory_space<semaphore_mem>>)
      %dma_start3A_200 = arith.constant 768 : i32
      %dma_start3A_201 = tpu.memref_slice %arg8[%dma_start3A_200] : memref<1024xf32, #tpu.memory_space<vmem>> -> memref<128xf32, #tpu.memory_space<vmem>>
      %dma_start3A_202 = arith.constant 768 : i32
      %dma_start3A_203 = tpu.memref_slice %arg6[%dma_start3A_202] : memref<1024xi32, #tpu.memory_space<vmem>> -> memref<128xi32, #tpu.memory_space<vmem>>
      %dma_start3A_204 = arith.constant 0 : i32
      %dma_start3A_205 = tpu.memref_slice %arg10[%dma_start3A_204] : memref<1000064xf32, #tpu.memory_space<vmem_shared>> -> memref<1000064xf32, #tpu.memory_space<vmem_shared>>
      tpu.enqueue_indirect_dma source(%dma_start3A_205 : memref<1000064xf32, #tpu.memory_space<vmem_shared>>) target(%dma_start3A_201 : memref<128xf32, #tpu.memory_space<vmem>>) offsets(%dma_start3A_203 : memref<128xi32, #tpu.memory_space<vmem>>) semaphore(%arg12 : memref<!tpu.dma_semaphore, #tpu.memory_space<semaphore_mem>>)
      %dma_start3A_206 = arith.constant 896 : i32
      %dma_start3A_207 = tpu.memref_slice %arg8[%dma_start3A_206] : memref<1024xf32, #tpu.memory_space<vmem>> -> memref<128xf32, #tpu.memory_space<vmem>>
      %dma_start3A_208 = arith.constant 896 : i32
      %dma_start3A_209 = tpu.memref_slice %arg6[%dma_start3A_208] : memref<1024xi32, #tpu.memory_space<vmem>> -> memref<128xi32, #tpu.memory_space<vmem>>
      %dma_start3A_210 = arith.constant 0 : i32
      %dma_start3A_211 = tpu.memref_slice %arg10[%dma_start3A_210] : memref<1000064xf32, #tpu.memory_space<vmem_shared>> -> memref<1000064xf32, #tpu.memory_space<vmem_shared>>
      tpu.enqueue_indirect_dma source(%dma_start3A_211 : memref<1000064xf32, #tpu.memory_space<vmem_shared>>) target(%dma_start3A_207 : memref<128xf32, #tpu.memory_space<vmem>>) offsets(%dma_start3A_209 : memref<128xi32, #tpu.memory_space<vmem>>) semaphore(%arg12 : memref<!tpu.dma_semaphore, #tpu.memory_space<semaphore_mem>>)
      %dma_wait3A_212 = arith.constant 0 : i32
      %dma_wait3A_213 = tpu.memref_slice %arg8[%dma_wait3A_212] : memref<1024xf32, #tpu.memory_space<vmem>> -> memref<128xf32, #tpu.memory_space<vmem>>
      %dma_wait3A_214 = arith.constant 0 : i32
      %dma_wait3A_215 = tpu.memref_slice %arg6[%dma_wait3A_214] : memref<1024xi32, #tpu.memory_space<vmem>> -> memref<128xi32, #tpu.memory_space<vmem>>
      %dma_wait3A_216 = arith.constant 0 : i32
      %dma_wait3A_217 = tpu.memref_slice %arg10[%dma_wait3A_216] : memref<1000064xf32, #tpu.memory_space<vmem_shared>> -> memref<1000064xf32, #tpu.memory_space<vmem_shared>>
      tpu.wait_indirect_dma semaphore(%arg12 : memref<!tpu.dma_semaphore, #tpu.memory_space<semaphore_mem>>) src(%dma_wait3A_217 : memref<1000064xf32, #tpu.memory_space<vmem_shared>>) dst(%dma_wait3A_213 : memref<128xf32, #tpu.memory_space<vmem>>)
      %dma_wait3A_218 = arith.constant 128 : i32
      %dma_wait3A_219 = tpu.memref_slice %arg8[%dma_wait3A_218] : memref<1024xf32, #tpu.memory_space<vmem>> -> memref<128xf32, #tpu.memory_space<vmem>>
      %dma_wait3A_220 = arith.constant 128 : i32
      %dma_wait3A_221 = tpu.memref_slice %arg6[%dma_wait3A_220] : memref<1024xi32, #tpu.memory_space<vmem>> -> memref<128xi32, #tpu.memory_space<vmem>>
      %dma_wait3A_222 = arith.constant 0 : i32
      %dma_wait3A_223 = tpu.memref_slice %arg10[%dma_wait3A_222] : memref<1000064xf32, #tpu.memory_space<vmem_shared>> -> memref<1000064xf32, #tpu.memory_space<vmem_shared>>
      tpu.wait_indirect_dma semaphore(%arg12 : memref<!tpu.dma_semaphore, #tpu.memory_space<semaphore_mem>>) src(%dma_wait3A_223 : memref<1000064xf32, #tpu.memory_space<vmem_shared>>) dst(%dma_wait3A_219 : memref<128xf32, #tpu.memory_space<vmem>>)
      %dma_wait3A_224 = arith.constant 256 : i32
      %dma_wait3A_225 = tpu.memref_slice %arg8[%dma_wait3A_224] : memref<1024xf32, #tpu.memory_space<vmem>> -> memref<128xf32, #tpu.memory_space<vmem>>
      %dma_wait3A_226 = arith.constant 256 : i32
      %dma_wait3A_227 = tpu.memref_slice %arg6[%dma_wait3A_226] : memref<1024xi32, #tpu.memory_space<vmem>> -> memref<128xi32, #tpu.memory_space<vmem>>
      %dma_wait3A_228 = arith.constant 0 : i32
      %dma_wait3A_229 = tpu.memref_slice %arg10[%dma_wait3A_228] : memref<1000064xf32, #tpu.memory_space<vmem_shared>> -> memref<1000064xf32, #tpu.memory_space<vmem_shared>>
      tpu.wait_indirect_dma semaphore(%arg12 : memref<!tpu.dma_semaphore, #tpu.memory_space<semaphore_mem>>) src(%dma_wait3A_229 : memref<1000064xf32, #tpu.memory_space<vmem_shared>>) dst(%dma_wait3A_225 : memref<128xf32, #tpu.memory_space<vmem>>)
      %dma_wait3A_230 = arith.constant 384 : i32
      %dma_wait3A_231 = tpu.memref_slice %arg8[%dma_wait3A_230] : memref<1024xf32, #tpu.memory_space<vmem>> -> memref<128xf32, #tpu.memory_space<vmem>>
      %dma_wait3A_232 = arith.constant 384 : i32
      %dma_wait3A_233 = tpu.memref_slice %arg6[%dma_wait3A_232] : memref<1024xi32, #tpu.memory_space<vmem>> -> memref<128xi32, #tpu.memory_space<vmem>>
      %dma_wait3A_234 = arith.constant 0 : i32
      %dma_wait3A_235 = tpu.memref_slice %arg10[%dma_wait3A_234] : memref<1000064xf32, #tpu.memory_space<vmem_shared>> -> memref<1000064xf32, #tpu.memory_space<vmem_shared>>
      tpu.wait_indirect_dma semaphore(%arg12 : memref<!tpu.dma_semaphore, #tpu.memory_space<semaphore_mem>>) src(%dma_wait3A_235 : memref<1000064xf32, #tpu.memory_space<vmem_shared>>) dst(%dma_wait3A_231 : memref<128xf32, #tpu.memory_space<vmem>>)
      %dma_wait3A_236 = arith.constant 512 : i32
      %dma_wait3A_237 = tpu.memref_slice %arg8[%dma_wait3A_236] : memref<1024xf32, #tpu.memory_space<vmem>> -> memref<128xf32, #tpu.memory_space<vmem>>
      %dma_wait3A_238 = arith.constant 512 : i32
      %dma_wait3A_239 = tpu.memref_slice %arg6[%dma_wait3A_238] : memref<1024xi32, #tpu.memory_space<vmem>> -> memref<128xi32, #tpu.memory_space<vmem>>
      %dma_wait3A_240 = arith.constant 0 : i32
      %dma_wait3A_241 = tpu.memref_slice %arg10[%dma_wait3A_240] : memref<1000064xf32, #tpu.memory_space<vmem_shared>> -> memref<1000064xf32, #tpu.memory_space<vmem_shared>>
      tpu.wait_indirect_dma semaphore(%arg12 : memref<!tpu.dma_semaphore, #tpu.memory_space<semaphore_mem>>) src(%dma_wait3A_241 : memref<1000064xf32, #tpu.memory_space<vmem_shared>>) dst(%dma_wait3A_237 : memref<128xf32, #tpu.memory_space<vmem>>)
      %dma_wait3A_242 = arith.constant 640 : i32
      %dma_wait3A_243 = tpu.memref_slice %arg8[%dma_wait3A_242] : memref<1024xf32, #tpu.memory_space<vmem>> -> memref<128xf32, #tpu.memory_space<vmem>>
      %dma_wait3A_244 = arith.constant 640 : i32
      %dma_wait3A_245 = tpu.memref_slice %arg6[%dma_wait3A_244] : memref<1024xi32, #tpu.memory_space<vmem>> -> memref<128xi32, #tpu.memory_space<vmem>>
      %dma_wait3A_246 = arith.constant 0 : i32
      %dma_wait3A_247 = tpu.memref_slice %arg10[%dma_wait3A_246] : memref<1000064xf32, #tpu.memory_space<vmem_shared>> -> memref<1000064xf32, #tpu.memory_space<vmem_shared>>
      tpu.wait_indirect_dma semaphore(%arg12 : memref<!tpu.dma_semaphore, #tpu.memory_space<semaphore_mem>>) src(%dma_wait3A_247 : memref<1000064xf32, #tpu.memory_space<vmem_shared>>) dst(%dma_wait3A_243 : memref<128xf32, #tpu.memory_space<vmem>>)
      %dma_wait3A_248 = arith.constant 768 : i32
      %dma_wait3A_249 = tpu.memref_slice %arg8[%dma_wait3A_248] : memref<1024xf32, #tpu.memory_space<vmem>> -> memref<128xf32, #tpu.memory_space<vmem>>
      %dma_wait3A_250 = arith.constant 768 : i32
      %dma_wait3A_251 = tpu.memref_slice %arg6[%dma_wait3A_250] : memref<1024xi32, #tpu.memory_space<vmem>> -> memref<128xi32, #tpu.memory_space<vmem>>
      %dma_wait3A_252 = arith.constant 0 : i32
      %dma_wait3A_253 = tpu.memref_slice %arg10[%dma_wait3A_252] : memref<1000064xf32, #tpu.memory_space<vmem_shared>> -> memref<1000064xf32, #tpu.memory_space<vmem_shared>>
      tpu.wait_indirect_dma semaphore(%arg12 : memref<!tpu.dma_semaphore, #tpu.memory_space<semaphore_mem>>) src(%dma_wait3A_253 : memref<1000064xf32, #tpu.memory_space<vmem_shared>>) dst(%dma_wait3A_249 : memref<128xf32, #tpu.memory_space<vmem>>)
      %dma_wait3A_254 = arith.constant 896 : i32
      %dma_wait3A_255 = tpu.memref_slice %arg8[%dma_wait3A_254] : memref<1024xf32, #tpu.memory_space<vmem>> -> memref<128xf32, #tpu.memory_space<vmem>>
      %dma_wait3A_256 = arith.constant 896 : i32
      %dma_wait3A_257 = tpu.memref_slice %arg6[%dma_wait3A_256] : memref<1024xi32, #tpu.memory_space<vmem>> -> memref<128xi32, #tpu.memory_space<vmem>>
      %dma_wait3A_258 = arith.constant 0 : i32
      %dma_wait3A_259 = tpu.memref_slice %arg10[%dma_wait3A_258] : memref<1000064xf32, #tpu.memory_space<vmem_shared>> -> memref<1000064xf32, #tpu.memory_space<vmem_shared>>
      tpu.wait_indirect_dma semaphore(%arg12 : memref<!tpu.dma_semaphore, #tpu.memory_space<semaphore_mem>>) src(%dma_wait3A_259 : memref<1000064xf32, #tpu.memory_space<vmem_shared>>) dst(%dma_wait3A_255 : memref<128xf32, #tpu.memory_space<vmem>>)
      %add3A_260 = arith.addi %mul3A_2, %add3A_142 : i32
      %dma_start3A_261 = tpu.memref_slice %arg5[%add3A_260, %multiple_of3A] : memref<64x16384xf32, #tpu.memory_space<hbm>> -> memref<1x1024xf32, #tpu.memory_space<hbm>>
      %dma_start3A_262 = tpu.memref_squeeze %dma_start3A_261 : memref<1x1024xf32, #tpu.memory_space<hbm>> -> memref<1024xf32, #tpu.memory_space<hbm>>
      %dma_start3A_263 = tpu.memref_slice %arg5[%add3A_260, %multiple_of3A] : memref<64x16384xf32, #tpu.memory_space<hbm>> -> memref<1x1024xf32, #tpu.memory_space<hbm>>
      %dma_start3A_264 = tpu.memref_squeeze %dma_start3A_263 : memref<1x1024xf32, #tpu.memory_space<hbm>> -> memref<1024xf32, #tpu.memory_space<hbm>>
      tpu.enqueue_dma source(%arg8 : memref<1024xf32, #tpu.memory_space<vmem>>) target(%dma_start3A_264 : memref<1024xf32, #tpu.memory_space<hbm>>) target_semaphore(%arg13 : memref<!tpu.dma_semaphore, #tpu.memory_space<semaphore_mem>>)
    }
    %scan3A_8 = arith.constant 16 : i32
    %dma_wait3A = arith.constant 0 : i32
    %dma_wait3A_9 = tpu.memref_slice %arg2[%dma_wait3A] : memref<16384xi32, #tpu.memory_space<hbm>> -> memref<1024xi32, #tpu.memory_space<hbm>>
    %dma_wait3A_10 = arith.constant 0 : i32
    %dma_wait3A_11 = tpu.memref_slice %arg2[%dma_wait3A_10] : memref<16384xi32, #tpu.memory_space<hbm>> -> memref<1024xi32, #tpu.memory_space<hbm>>
    tpu.wait_dma2 semaphore(%arg13 : memref<!tpu.dma_semaphore, #tpu.memory_space<semaphore_mem>>) src(%dma_wait3A_11 : memref<1024xi32, #tpu.memory_space<hbm>>) dst(%arg7 : memref<1024xf32, #tpu.memory_space<vmem>>)
    %dma_wait3A_12 = arith.constant 0 : i32
    %dma_wait3A_13 = tpu.memref_slice %arg2[%dma_wait3A_12] : memref<16384xi32, #tpu.memory_space<hbm>> -> memref<1024xi32, #tpu.memory_space<hbm>>
    %dma_wait3A_14 = arith.constant 0 : i32
    %dma_wait3A_15 = tpu.memref_slice %arg2[%dma_wait3A_14] : memref<16384xi32, #tpu.memory_space<hbm>> -> memref<1024xi32, #tpu.memory_space<hbm>>
    tpu.wait_dma2 semaphore(%arg13 : memref<!tpu.dma_semaphore, #tpu.memory_space<semaphore_mem>>) src(%dma_wait3A_15 : memref<1024xi32, #tpu.memory_space<hbm>>) dst(%arg8 : memref<1024xf32, #tpu.memory_space<vmem>>)
    return
  }
}

</mosaic_0001>

<sc_bundles>
// kernel: kernel.3.cloned.1.call-start
scs
__scs_entry_jumppad:
0x0: {  	(pc) =	sbr.rel $0x88, $3  }
0x1: {  	(tag) =	ssettag $0x0;
	lr =	simm.s32 $0x1  }
0x2: {  	[smem:$0x3F9F] =	sst lr;
	_ =	strace $0xD0000000  }
0x3: {  	_ = 	snop  }
0x4: {  	_ = 	snop  }
0x5: {  	_ = 	snop  }
0x6: {  	_ = 	snop  }
0x7: {  	_ = 	snop  }
__scs_overlays_trampoline_lowered:
0x8: {  	[smem:$0x3FAE] =	sst s0  }
0x9: {  	[smem:$0x3FAF] =	sst s1  }
0xa: {  	[smem:$0x3FB0] =	sst s2  }
0xb: {  	[smem:$0x3FB1] =	sst s3  }
0xc: {  	[smem:$0x3FB2] =	sst s4  }
0xd: {  	[smem:$0x3FB3] =	sst s5  }
0xe: {  	[smem:$0x3FB4] =	sst s6  }
0xf: {  	[smem:$0x3FB5] =	sst s7  }
0x10: {  	[smem:$0x3FB6] =	sst s8  }
0x11: {  	[smem:$0x3FB7] =	sst s9;
	s0 =	simm.s32 @!p0 $0x0  }
0x12: {  	s1 =	sld [smem:$0x3F9D];
	s0 =	simm.s32 @p0 $0x1  }
0x13: {  	[smem:$0x3FB8] =	sst s0;
	s0 =	simm.s32 @!p1 $0x0  }
0x14: {  	s2 =	sld [smem:$0x3F9C];
	s0 =	simm.s32 @p1 $0x1  }
0x15: {  	[smem:$0x3FB9] =	sst s0;
	s0 =	simm.s32 @!p2 $0x0  }
0x16: {  	s3 =	sld [smem:$0x3FDB];
	s0 =	simm.s32 @p2 $0x1  }
0x17: {  	s4 =	simm.s32 $0x1BF5;
	[smem:$0x3FBB] =	sst s0  }
0x18: {  	s0 =	sld [smem:$0x3F9E];
	_ =	swait.ge [sflag:s4], $0x0  }
0x19: {  	s7 =	sld [smem:$0x3F9F]  }
0x1a: {  	s8 =	sadd.s32 $0xFFFFE003, lr  }
0x1b: {  	s9 =	sadd.s32 $0xFFFFFEF7, lr;
	s5 =	simm.s32 $0xFFFFFFFF;
	p2 =	slt.u32 s8, $0xFFFFF086  }
0x1c: {  	p1 =	slt.u32 s9, $0xF7A;
	s5 =	simm.s32 @!p2 $0x0  }
0x1d: {  	s5 =	simm.s32 @p1 $0x1;
	p0 =	seq.s32 s7, s2  }
0x1e: {  	s7 =	smul.u32 @!p0 $0xF7A, s2;
	p2 =	seq.s32 @!p0 s5, $0x0  }
0x1f: {  	s9 =	smul.u32 $0xF7A, s1;
	s8 =	simm.s32 @!p0 $0x1BF5;
	p2 =	por !p2, p0  }
0x20: {  	[sflag:s8] =	ssyncset.s32 @!p0 $0xFFFFF086;
	s6 =	sadd.s32 @!p0 s3, s7;
	s7 =	simm.s32 @!p0 $0x108  }
0x21: {  	s3 =	sadd.s32 s3, s9;
	s6 =	sadd.s32 @!p0 $0x88, s6;
	s7 =	simm.s32 @p2 $0x1082  }
0x22: {  	[simem:s7], [sflag:s8] =	dma.local @!p0 [hbm:s6], $0xF7A  }
0x23: {  	s9 =	sor.u32 $0xD0000000, s2;
	s6 =	simm.s32 $0x108;
	_ =	swait.ge @!p0 [sflag:s8], $0x0  }
0x24: {  	s3 =	sadd.s32 $0x88, s3;
	s6 =	simm.s32 @!p1 $0x1082;
	[sflag:s4] =	ssyncset.s32 $0xFFFFF086  }
0x25: {  	[simem:s6], [sflag:s4] =	dma.local [hbm:s3], $0xF7A  }
0x26: {  	[smem:$0x3F9F] =	sst s1;
	(tag) =	ssettag s2;
	_ =	strace s9  }
0x27: {  	s1 =	sld [smem:$0x3FAF]  }
0x28: {  	s2 =	sld [smem:$0x3FB0]  }
0x29: {  	s4 =	sld [smem:$0x3FB2]  }
0x2a: {  	p0 =	seq.s32 s5, $0x0;
	s5 =	sld [smem:$0x3FB3]  }
0x2b: {  	s6 =	sld [smem:$0x3FB4]  }
0x2c: {  	s7 =	sld [smem:$0x3FB5]  }
0x2d: {  	s3 =	simm.s32 $0x108;
	s8 =	sld [smem:$0x3FB6]  }
0x2e: {  	s3 =	simm.s32 @!p0 $0x1082;
	s9 =	sld [smem:$0x3FB7]  }
0x2f: {  	lr =	sadd.s32 s0, s3;
	s0 =	sld [smem:$0x3FAE]  }
0x30: {  	s3 =	sld [smem:$0x3FB1]  }
0x31: {  	[smem:$0x3FBA] =	sst s10  }
0x32: {  	s10 =	sld [smem:$0x3FB8];
	_ =	sdelay $0x3  }
0x33: {  	p0 =	seq.s32 s10, $0x1;
	s10 =	sld [smem:$0x3FBA];
	_ =	sdelay $0x3  }
0x34: {  	[smem:$0x3FBA] =	sst s10  }
0x35: {  	s10 =	sld [smem:$0x3FB9];
	_ =	sdelay $0x3  }
0x36: {  	p1 =	seq.s32 s10, $0x1;
	s10 =	sld [smem:$0x3FBA];
	_ =	sdelay $0x3  }
0x37: {  	[smem:$0x3FBA] =	sst s10  }
0x38: {  	s10 =	sld [smem:$0x3FBB]  }
0x39: {  	_ = 	snop;
	(pc) =	sbr.ind lr, $3  }
0x3a: {  	_ = 	snop  }
0x3b: {  	_ = 	snop  }
0x3c: {  	p2 =	seq.s32 s10, $0x1;
	s10 =	sld [smem:$0x3FBA]  }
0x3d: {  	_ =	shalt  }
0x3e: {  	_ =	shalt  }
0x3f: {  	_ =	shalt  }
0x40: {  	_ =	shalt  }
0x41: {  	_ =	shalt  }
0x42: {  	_ =	shalt  }
0x43: {  	_ =	shalt  }
0x44: {  	_ =	shalt  }
0x45: {  	_ =	shalt  }
0x46: {  	_ =	shalt  }
0x47: {  	_ =	shalt  }
0x48: {  	_ =	shalt  }
0x49: {  	_ =	shalt  }
0x4a: {  	_ =	shalt  }
0x4b: {  	_ =	shalt  }
0x4c: {  	_ =	shalt  }
0x4d: {  	_ =	shalt  }
0x4e: {  	_ =	shalt  }
0x4f: {  	_ =	shalt  }
0x50: {  	_ =	shalt  }
0x51: {  	_ =	shalt  }
0x52: {  	_ =	shalt  }
0x53: {  	_ =	shalt  }
0x54: {  	_ =	shalt  }
0x55: {  	_ =	shalt  }
0x56: {  	_ =	shalt  }
0x57: {  	_ =	shalt  }
0x58: {  	_ =	shalt  }
0x59: {  	_ =	shalt  }
0x5a: {  	_ =	shalt  }
0x5b: {  	_ =	shalt  }
0x5c: {  	_ =	shalt  }
0x5d: {  	_ =	shalt  }
0x5e: {  	_ =	shalt  }
0x5f: {  	_ =	shalt  }
0x60: {  	_ =	shalt  }
0x61: {  	_ =	shalt  }
0x62: {  	_ =	shalt  }
0x63: {  	_ =	shalt  }
0x64: {  	_ =	shalt  }
0x65: {  	_ =	shalt  }
0x66: {  	_ =	shalt  }
0x67: {  	_ =	shalt  }
0x68: {  	_ =	shalt  }
0x69: {  	_ =	shalt  }
0x6a: {  	_ =	shalt  }
0x6b: {  	_ =	shalt  }
0x6c: {  	_ =	shalt  }
0x6d: {  	_ =	shalt  }
0x6e: {  	_ =	shalt  }
0x6f: {  	_ =	shalt  }
0x70: {  	_ =	shalt  }
0x71: {  	_ =	shalt  }
0x72: {  	_ =	shalt  }
0x73: {  	_ =	shalt  }
0x74: {  	_ =	shalt  }
0x75: {  	_ =	shalt  }
0x76: {  	_ =	shalt  }
0x77: {  	_ =	shalt  }
0x78: {  	_ =	shalt  }
0x79: {  	_ =	shalt  }
0x7a: {  	_ =	shalt  }
0x7b: {  	_ =	shalt  }
0x7c: {  	_ =	shalt  }
0x7d: {  	_ =	shalt  }
0x7e: {  	_ =	shalt  }
0x7f: {  	_ =	shalt  }
0x80: {  	_ =	shalt  }
0x81: {  	_ =	shalt  }
0x82: {  	_ =	shalt  }
0x83: {  	_ =	shalt  }
0x84: {  	_ =	shalt  }
0x85: {  	_ =	shalt  }
0x86: {  	_ =	shalt  }
0x87: {  	_ =	shalt  }
.Lfunc_end0:
.L_simem_size_0:
called_computation_lowered:
.L_overlay_start_0:
0x88: {  	s2 =	sld [smem:$0x3FD9]  }
0x89: {  	s3 =	sld [smem:$0x3FFE];
	_ =	sdelay $0x1  }
0x8a: {  	s1 =	srdreg.scid  }
0x8b: {  	s0 =	sand.u32 $0x1, s1  }
0x8c: {  	s17 =	sshll.u32 s0, $0xA;
	s2 =	sadd.s32 s3, s2  }
0x8d: {  	s2 =	sadd.s32 s2, s17  }
0x8e: {  	[smem:$0x3FC6] =	sst s2  }
0x8f: {  	_ = 	snop  }
0x90: {  	s2 =	sld [smem:$0x3FC9]  }
0x91: {  	s18 =	sld [smem:$0x3FC8]  }
0x92: {  	s4 =	sld [smem:$0x3FD0];
	(tm) =	ssettm $0x1  }
0x93: {  	s5 =	sld [smem:$0x3FFB];
	_ =	sdelay $0x3  }
0x94: {  	_ =	strace s5  }
0x95: {  	s5 =	sld [smem:$0x3FFC];
	_ =	sdelay $0x3  }
0x96: {  	_ =	strace s5  }
0x97: {  	s5 =	sld [smem:$0x3FFD];
	_ =	sdelay $0x3  }
0x98: {  	_ =	strace s5  }
0x99: {  	_ =	strace $0x8FFFFFFF  }
0x9a: {  	s19 =	sld [smem:$0x3FDB];
	_ =	sdelay $0x1  }
0x9b: {  	s6 =	simm.s32 $_scs_section_size  }
0x9c: {  	s7 =	simm.s32 $_size__tile_overlayer_lowered;
	s8 =	simm.s32 $_tile_overlayer_lowered  }
0x9d: {  	s22 =	simm.s32 $0x1BFF;
	s21 =	sshll.u32 s8, $0x1;
	s5 =	sadd.s32 s6, s19  }
0x9e: {  	s9 =	simm.s32 $0x0;
	s20 =	sshll.u32 s7, $0x1;
	s7 =	sadd.s32 s21, s5  }
0x9f: {  	[timem:s9], [sflag:s22] =	dma.local [hbm:s7], s20  }
0xa0: {  	_ =	swait.ge [sflag:s22], s20  }
0xa1: {  	s6 =	ssub.s32 $0x0, s20;
	[sflag:s22] =	ssyncset.done $0x0  }
0xa2: {  	[sflag:s22] =	ssyncadd.s32 s6;
	_ =	sdelay $0x1  }
0xa3: {  	s23 =	simm.s32 $0x1B8B  }
0xa4: {  	_ =	swait.ge [sflag:s23], $0x1  }
0xa5: {  	[sflag:s23] =	ssyncset.done $0x0  }
0xa6: {  	s25 =	simm.s32 $0x1B8E;
	s24 =	sld [smem:$0x3FFE];
	[sflag:s23] =	ssyncadd.s32 $0xFFFFFFFF  }
0xa7: {  	s26 =	simm.s32 $execute0_lowered;
	[smem:$0x3FD2] =	sst s25  }
0xa8: {  	s7 =	sshll.u32 s26, $0x1;
	_ =	strace $0x80000046;
	[dreg:$0x1] =	wrdreg $0xFFFFFFFF  }
0xa9: {  	s28 =	simm.s32 $_size_execute0_lowered;
	s5 =	sadd.s32 s5, s7;
	[dreg:$0x0] =	wrdreg $0x0  }
0xaa: {  	s7 =	sshll.u32 s28, $0x1;
	[dreg:$0x2] =	wrdreg s5  }
0xab: {  	[dreg:$0x3] =	wrdreg s7  }
0xac: {  	[dreg:$0x4] =	wrdreg $0xC0  }
0xad: {  	_ =	task [dreg:s9], $0x5FFFF  }
0xae: {  	[dreg:$0x1] =	wrdreg $0xFFFFFFFF  }
0xaf: {  	[dreg:$0x0] =	wrdreg $0x60  }
0xb0: {  	[dreg:$0x2] =	wrdreg s2  }
0xb1: {  	[dreg:$0x3] =	wrdreg s18  }
0xb2: {  	[dreg:$0x4] =	wrdreg s24  }
0xb3: {  	[dreg:$0x5] =	wrdreg s4  }
0xb4: {  	[dreg:$0x6] =	wrdreg $0xC000  }
0xb5: {  	[dreg:$0x7] =	wrdreg $0x100280  }
0xb6: {  	[dreg:$0x8] =	wrdreg $0x9  }
0xb7: {  	_ =	task.clear_ibuf [dreg:s9], $0x9FFFF;
	_ =	strace $0x90000046  }
0xb8: {  	s29 =	simm.s32 $0x9;
	_ =	strace $0x80000048  }
0xb9: {  	_ =	swait.ge [sflag:s29], $0x1  }
0xba: {  	[sflag:s29] =	ssyncadd.s32 $0xFFFFFFFF  }
0xbb: {  	_ =	strace $0x90000048  }
0xbc: {  	_ =	sfence  }
0xbd: {  	s30 =	sld [smem:$0x0];
	_ =	sdelay $0x2  }
0xbe: {  	s31 =	sshll.u32 s1, $0xD;
	s1 =	sshrl.u32 s1, $0x2  }
0xbf: {  	s3 =	sand.u32 $0x4000, s31;
	s1 =	sadd.s32 s1, s30  }
0xc0: {  	s0 =	sor.u32 s3, s0;
	s1 =	sshll.u32 s1, $0x11  }
0xc1: {  	s0 =	sor.u32 s1, s0  }
0xc2: {  	s0 =	sadd.s32 $0x8F2B, s0  }
0xc3: {  	[sflag:s0] =	ssyncadd.remote.s32 $0x1  }
0xc4: {  	_ =	sfence.sel $0xFFFF  }
0xc5: {  	[dreg:$0x0] =	wrdreg $0xFFFFFFFF;
	(pc) =	sbr.abs _section_cstart, $3  }
0xc6: {  	[dreg:$0x1] =	wrdreg $0xFFFFFFFF  }
0xc7: {  	_ =	task.clear_ibuf [dreg:s9], $0x2FFFF;
	_ =	strace $0x9FFFFFFF  }
0xc8: {  	(tm) =	ssettm $0x7FFFFFFF  }
0xc9: {  	_ =	shalt  }
tec
execute0_lowered:
.L_overlay_start_1:
0x0: {  	(tag) =	ssettag $0x1  }
0x1: {  	s0 =	rddreg [dreg:$0x0]  }
0x2: {  	s12 =	rddreg [dreg:$0x1]  }
0x3: {  	s1 =	rddreg [dreg:$0x2]  }
0x4: {  	s2 =	rddreg [dreg:$0x3]  }
0x5: {  	s3 =	rddreg [dreg:$0x4]  }
0x6: {  	s4 =	rddreg [dreg:$0x5];
	s5 =	simm.s32 $0x0;
	s6 =	srdreg.scid  }
0x7: {  	s22 =	stileid.u32;
	s21 =	simm.s32 $0x80;
	s29 =	simm.s32 $0x200  }
0x8: {  	s31 =	simm.s32 $0x280;
	s16 =	simm.s32 $0x1;
	s18 =	simm.s32 $0x3  }
0x9: {  	s15 =	simm.s32 $0x800;
	s28 =	simm.s32 $0xB80;
	[smem:$0x7FF] =	sst s5  }
0xa: {  	s7 =	sand.u32 $0x1, s6;
	s6 =	sadd.s32 $0x400, s1;
	s13 =	sadd.s32 $0xF4200, s3  }
0xb: {  	s24 =	sshll.u32 s22, $0x7;
	p0 =	sne.s32 s22, $0x0;
	p1 =	seq.s32 s22, $0x0  }
0xc: {  	_ =	strace $0x80000047;
	s8 =	ssub.s32 $0x2, s7;
	s9 =	smul.u32 $0x3D0A00, s7  }
0xd: {  	s11 =	sshll.u32 s7, $0x5;
	s23 =	sshll.u32 s7, $0x9;
	s0 =	sadd.s32 s0, s24  }
0xe: {  	s25 =	sshll.u32 s7, $0xC;
	s7 =	sshll.u32 s7, $0x13;
	[dreg:$0x8] =	wrdreg s13  }
0xf: {  	s1 =	sshrl.u32 @!p0 s13, $0x3;
	s19 =	sshrl.u32 @p1 s4, $0x3;
	s24 =	simm.s32 $0x100  }
0x10: {  	s13 =	simm.s32 $0x2;
	s10 =	sshrl.u32 s8, $0x1;
	[dreg:$0xa] =	wrdreg s0  }
0x11: {  	s0 =	sadd.s32 $0xF4200, s4;
	[dreg:$0xc] =	wrdreg s7;
	s26 =	sor.u32 $0x100, s25  }
0x12: {  	s30 =	sor.u32 $0x2, s11;
	s7 =	sshrl.u32 @!p0 s3, $0x3;
	[dreg:$0x10] =	wrdreg s1  }
0x13: {  	s11 =	simm.s32 $0x380;
	s1 =	simm.s32 $0x0;
	[dreg:$0xd] =	wrdreg s26  }
.Ltmp0:
0x14: {  	s8 =	ssub.s32 s8, s10;
	[dreg:$0xe] =	wrdreg s30;
	(pc) =	sbr.rel .LBB2_1-.Ltmp0, $4  }
0x15: {  	s9 =	sadd.s32 s12, s9;
	s10 =	sshll.u32 s22, $0xD;
	[dreg:$0xf] =	wrdreg s7  }
0x16: {  	s20 =	sshrl.u32 @p1 s0, $0x3;
	[dreg:$0x7] =	wrdreg s9;
	s9 =	sadd.s32 s6, s23  }
0x17: {  	s22 =	simm.s32 $0x400;
	s8 =	smax.u32 s8, $0x1;
	[dreg:$0x9] =	wrdreg s9  }
0x18: {  	s26 =	simm.s32 $0x180;
	s7 =	simm.s32 $0x300;
	[dreg:$0xb] =	wrdreg s8  }
.LBB2_9:
0x19: {  	_ =	swait.ge [sflag:s18], $0x400  }
0x1a: {  	[sflag:s18] =	ssyncset.done $0x0  }
0x1b: {  	[sflag:s18] =	ssyncadd.s32 $0xFFFFFC00  }
0x1c: {  	_ =	swait.ge [sflag:s18], $0x400  }
0x1d: {  	s1 =	rddreg [dreg:$0x11]  }
0x1e: {  	s0 =	rddreg [dreg:$0xb];
	s1 =	sadd.s32 $0x1, s1  }
0x1f: {  	p2 =	sne.s32 s1, s0  }
.Ltmp1:
0x20: {  	_ = 	snop;
	(pc) =	sbr.rel @!p2 .LBB2_10-.Ltmp1, $3  }
0x21: {  	_ =	sdelay $0x1  }
0x22: {  	[sflag:s18] =	ssyncset.done $0x0  }
0x23: {  	[sflag:s18] =	ssyncadd.s32 $0xFFFFFC00  }
.LBB2_1:
0x24: {  	[dreg:$0x11] =	wrdreg s1  }
0x25: {  	s0 =	simm.s32 @!p0 $0x1;
	s9 =	simm.s32 @!p0 $0x10;
	s1 =	rddreg [dreg:$0x7]  }
0x26: {  	s12 =	simm.s32 @!p0 $0x80;
	s30 =	simm.s32 @!p0 $0x1C01;
	s8 =	rddreg [dreg:$0xf]  }
0x27: {  	[spmem:s8@s9], [sflag:s30] =	dma.strided @!p0 [hbm:s1@s12], $0x1E840, s0, $0x10   }
0x28: {  	s0 =	rddreg [dreg:$0x9]  }
0x29: {  	s1 =	rddreg [dreg:$0x10]  }
0x2a: {  	[spmem:s1], [sflag:s30] =	dma.local @!p0 [hbm:s0], $0x10  }
.Ltmp2:
0x2b: {  	s25 =	simm.s32 $0x4;
	s0 =	rddreg [dreg:$0xa];
	(pc) =	sbr.rel .LBB2_2-.Ltmp2, $4  }
0x2c: {  	[tilespmem:s5], [sflag:$0x4] =	stream.linear.gather [hbm4b:s0+s5], $0x400, $0x38;
	[tilespmem:$0x1F450] =	vst v63  }
0x2d: {  	_ =	swait.ge [sflag:s25], $0x400  }
0x2e: {  	[sflag:s25] =	ssyncset.done $0x0;
	s30 =	rddreg [dreg:$0xe]  }
0x2f: {  	s9 =	simm.s32 $0x0;
	s0 =	rddreg [dreg:$0xc];
	[sflag:s25] =	ssyncadd.s32 $0xFFFFFC00  }
.LBB2_7:
0x30: {  	_ =	swait.ge [sflag:s18], $0x400  }
0x31: {  	[sflag:s18] =	ssyncset.done $0x0  }
0x32: {  	[sflag:s18] =	ssyncadd.s32 $0xFFFFFC00  }
.LBB2_8:
0x33: {  	[tilespmem:s15], [sflag:$0x2] =	stream.indirect.gather [spmem:s4], $0x1, s5, s21, $0xb8;
	[tilespmem:$0x1F450] =	vst v63  }
0x34: {  	s1 =	simm.s32 $0x880  }
0x35: {  	[tilespmem:s1], [sflag:$0x2] =	stream.indirect.gather [spmem:s4], $0x1, s21, s21, $0xb8;
	[tilespmem:$0x1F450] =	vst v63  }
0x36: {  	s25 =	simm.s32 $0x900  }
0x37: {  	[tilespmem:s25], [sflag:$0x2] =	stream.indirect.gather [spmem:s4], $0x1, s24, s21, $0xb8;
	[tilespmem:$0x1F450] =	vst v63  }
0x38: {  	s8 =	simm.s32 $0x980  }
0x39: {  	[tilespmem:s8], [sflag:$0x2] =	stream.indirect.gather [spmem:s4], $0x1, s26, s21, $0xb8;
	[tilespmem:$0x1F450] =	vst v63  }
0x3a: {  	s14 =	simm.s32 $0xA00  }
0x3b: {  	[tilespmem:s14], [sflag:$0x2] =	stream.indirect.gather [spmem:s4], $0x1, s29, s21, $0xb8;
	[tilespmem:$0x1F450] =	vst v63  }
0x3c: {  	s17 =	simm.s32 $0xA80  }
0x3d: {  	[tilespmem:s17], [sflag:$0x2] =	stream.indirect.gather [spmem:s4], $0x1, s31, s21, $0xb8;
	[tilespmem:$0x1F450] =	vst v63  }
0x3e: {  	s23 =	simm.s32 $0xB00  }
0x3f: {  	[tilespmem:s23], [sflag:$0x2] =	stream.indirect.gather [spmem:s4], $0x1, s7, s21, $0xb8;
	[tilespmem:$0x1F450] =	vst v63  }
0x40: {  	_ = 	snop  }
0x41: {  	[tilespmem:s28], [sflag:$0x2] =	stream.indirect.gather [spmem:s4], $0x1, s11, s21, $0xb8;
	[tilespmem:$0x1F450] =	vst v63  }
0x42: {  	_ =	swait.ge [sflag:s13], $0x80  }
0x43: {  	[sflag:s13] =	ssyncset.done $0x0  }
0x44: {  	[sflag:s13] =	ssyncadd.s32 $0xFFFFFF80  }
0x45: {  	_ =	swait.ge [sflag:s13], $0x80  }
0x46: {  	[sflag:s13] =	ssyncset.done $0x0  }
0x47: {  	[sflag:s13] =	ssyncadd.s32 $0xFFFFFF80  }
0x48: {  	_ =	swait.ge [sflag:s13], $0x80  }
0x49: {  	[sflag:s13] =	ssyncset.done $0x0  }
0x4a: {  	[sflag:s13] =	ssyncadd.s32 $0xFFFFFF80  }
0x4b: {  	_ =	swait.ge [sflag:s13], $0x80  }
0x4c: {  	[sflag:s13] =	ssyncset.done $0x0  }
0x4d: {  	[sflag:s13] =	ssyncadd.s32 $0xFFFFFF80  }
0x4e: {  	_ =	swait.ge [sflag:s13], $0x80  }
0x4f: {  	[sflag:s13] =	ssyncset.done $0x0  }
0x50: {  	[sflag:s13] =	ssyncadd.s32 $0xFFFFFF80  }
0x51: {  	_ =	swait.ge [sflag:s13], $0x80  }
0x52: {  	[sflag:s13] =	ssyncset.done $0x0  }
0x53: {  	[sflag:s13] =	ssyncadd.s32 $0xFFFFFF80  }
0x54: {  	s25 =	sadd.s32 $0x80, s9;
	s9 =	sadd.s32 $0x100, s9;
	_ =	swait.ge [sflag:s13], $0x80  }
0x55: {  	s1 =	sand.u32 $0x380, s25;
	p2 =	sne.s32 s9, $0x1000;
	[sflag:s13] =	ssyncset.done $0x0  }
.Ltmp3:
0x56: {  	s1 =	sor.u32 s10, s1;
	[sflag:s13] =	ssyncadd.s32 $0xFFFFFF80;
	(pc) =	sbr.rel @!p2 .LBB2_9-.Ltmp3, $4  }
0x57: {  	s1 =	sor.u32 s12, s1;
	_ =	swait.ge [sflag:s13], $0x80  }
0x58: {  	s0 =	sadd.s32 $0x8000, s0;
	s1 =	sshrl.u32 s1, $0x3;
	[sflag:s13] =	ssyncset.done $0x0  }
0x59: {  	s30 =	sadd.s32 $0x2, s30;
	s1 =	sadd.s32 s2, s1;
	[sflag:s13] =	ssyncadd.s32 $0xFFFFFF80  }
0x5a: {  	[hbm4b:s1+s21] =	stream.strided.scatter [tilespmem:s15], [sflag:$0x3], $0x400, s22, s21, $0x38;
	[tilespmem:$0x1F450] =	vst v63  }
.LBB2_2:
0x5b: {  	s12 =	simm.s32 @p1 $0x1  }
0x5c: {  	_ =	swait.ge @p1 [sflag:s12], $0x1E840  }
0x5d: {  	s8 =	sadd.s32 @p1 $0xFFFFFFFE, s30;
	[sflag:s12] =	ssyncset.done @p1 $0x0  }
0x5e: {  	s17 =	sand.u32 @p1 $0x300, s9;
	s23 =	simm.s32 @p1 $0x10;
	[sflag:s12] =	ssyncadd.s32 @p1 $0xFFFE17C0  }
0x5f: {  	s25 =	simm.s32 @p1 $0x80;
	s8 =	sshrl.u32 @p1 s8, $0x3;
	_ =	swait.ge @p1 [sflag:s12], $0x10  }
0x60: {  	p2 =	seq.s32 s9, $0x0;
	s14 =	smul.u32 @p1 $0x7A1400, s8;
	[sflag:s12] =	ssyncset.done @p1 $0x0  }
0x61: {  	s17 =	sor.u32 @p1 $0x80, s17;
	s8 =	sshll.u32 @p1 s8, $0xA;
	[sflag:s12] =	ssyncadd.s32 @p1 $0xFFFFFFF0  }
0x62: {  	s8 =	sor.u32 @p1 s17, s8;
	s14 =	sor.u32 @p1 s17, s14;
	[bflag:$0x0] =	sbarrier.arrive @p1 $0xFFFF  }
0x63: {  	s8 =	sshrl.u32 @p1 s8, $0x3;
	s14 =	sshrl.u32 @p1 s14, $0x3;
	s1 =	rddreg [dreg:$0x1]  }
0x64: {  	s8 =	sadd.s32 @p1 s6, s8;
	s14 =	sadd.s32 @p1 s1, s14;
	s1 =	simm.s32 @p1 $0x1C01  }
0x65: {  	[spmem:s19@s23], [sflag:s1] =	dma.strided @p1 [hbm:s14@s25], $0x1E840, s12, $0x10   }
0x66: {  	[spmem:s20], [sflag:s1] =	dma.local @p1 [hbm:s8], $0x10  }
0x67: {  	s1 =	simm.s32 @!p2 $0x3;
	[bflag:$0x0] =	sbarrier.arrive @!p1 $0xFFFF  }
0x68: {  	_ =	swait.ge @!p2 [sflag:s1], $0x400  }
0x69: {  	[sflag:s1] =	ssyncset.done @!p2 $0x0  }
0x6a: {  	[sflag:s1] =	ssyncadd.s32 @!p2 $0xFFFFFC00  }
0x6b: {  	[tilespmem:s22], [sflag:$0x2] =	stream.indirect.gather [spmem:s3], $0x1, s5, s21, $0xb8;
	[tilespmem:$0x1F450] =	vst v63  }
0x6c: {  	s23 =	simm.s32 $0x480  }
0x6d: {  	[tilespmem:s23], [sflag:$0x2] =	stream.indirect.gather [spmem:s3], $0x1, s21, s21, $0xb8;
	[tilespmem:$0x1F450] =	vst v63  }
0x6e: {  	s25 =	simm.s32 $0x500  }
0x6f: {  	[tilespmem:s25], [sflag:$0x2] =	stream.indirect.gather [spmem:s3], $0x1, s24, s21, $0xb8;
	[tilespmem:$0x1F450] =	vst v63  }
0x70: {  	s8 =	simm.s32 $0x580  }
0x71: {  	[tilespmem:s8], [sflag:$0x2] =	stream.indirect.gather [spmem:s3], $0x1, s26, s21, $0xb8;
	[tilespmem:$0x1F450] =	vst v63  }
0x72: {  	s12 =	simm.s32 $0x600  }
0x73: {  	[tilespmem:s12], [sflag:$0x2] =	stream.indirect.gather [spmem:s3], $0x1, s29, s21, $0xb8;
	[tilespmem:$0x1F450] =	vst v63  }
0x74: {  	s14 =	simm.s32 $0x680  }
0x75: {  	[tilespmem:s14], [sflag:$0x2] =	stream.indirect.gather [spmem:s3], $0x1, s31, s21, $0xb8;
	[tilespmem:$0x1F450] =	vst v63  }
0x76: {  	s17 =	simm.s32 $0x700  }
0x77: {  	[tilespmem:s17], [sflag:$0x2] =	stream.indirect.gather [spmem:s3], $0x1, s7, s21, $0xb8;
	[tilespmem:$0x1F450] =	vst v63  }
0x78: {  	s23 =	simm.s32 $0x780  }
0x79: {  	[tilespmem:s23], [sflag:$0x2] =	stream.indirect.gather [spmem:s3], $0x1, s11, s21, $0xb8;
	[tilespmem:$0x1F450] =	vst v63  }
0x7a: {  	_ =	swait.ge [sflag:s13], $0x80  }
0x7b: {  	[sflag:s13] =	ssyncset.done $0x0  }
0x7c: {  	[sflag:s13] =	ssyncadd.s32 $0xFFFFFF80  }
0x7d: {  	_ =	swait.ge [sflag:s13], $0x80  }
0x7e: {  	[sflag:s13] =	ssyncset.done $0x0  }
0x7f: {  	[sflag:s13] =	ssyncadd.s32 $0xFFFFFF80  }
0x80: {  	_ =	swait.ge [sflag:s13], $0x80  }
0x81: {  	[sflag:s13] =	ssyncset.done $0x0  }
0x82: {  	[sflag:s13] =	ssyncadd.s32 $0xFFFFFF80  }
0x83: {  	_ =	swait.ge [sflag:s13], $0x80  }
0x84: {  	[sflag:s13] =	ssyncset.done $0x0  }
0x85: {  	[sflag:s13] =	ssyncadd.s32 $0xFFFFFF80  }
0x86: {  	_ =	swait.ge [sflag:s13], $0x80  }
0x87: {  	[sflag:s13] =	ssyncset.done $0x0  }
0x88: {  	[sflag:s13] =	ssyncadd.s32 $0xFFFFFF80  }
0x89: {  	_ =	swait.ge [sflag:s13], $0x80  }
0x8a: {  	[sflag:s13] =	ssyncset.done $0x0  }
0x8b: {  	[sflag:s13] =	ssyncadd.s32 $0xFFFFFF80  }
0x8c: {  	s25 =	sand.u32 $0x300, s9;
	_ =	swait.ge [sflag:s13], $0x80  }
0x8d: {  	s1 =	sor.u32 s25, s10;
	[sflag:s13] =	ssyncset.done $0x0  }
.Ltmp4:
0x8e: {  	s12 =	sand.u32 $0xE0000, s0;
	[sflag:s13] =	ssyncadd.s32 $0xFFFFFF80;
	(pc) =	sbr.rel @p1 .LBB2_4-.Ltmp4, $4  }
0x8f: {  	s1 =	sor.u32 s12, s1;
	_ =	swait.ge [sflag:s13], $0x80  }
0x90: {  	s1 =	sshrl.u32 s1, $0x3;
	[sflag:s13] =	ssyncset.done $0x0  }
0x91: {  	s1 =	sadd.s32 s2, s1;
	[sflag:s13] =	ssyncadd.s32 $0xFFFFFF80  }
0x92: {  	[hbm4b:s1+s21] =	stream.strided.scatter [tilespmem:s22], [sflag:$0x3], $0x400, s22, s21, $0x38;
	[tilespmem:$0x1F450] =	vst v63  }
.Ltmp5:
0x93: {  	(pc) =	sbr.rel .LBB2_6-.Ltmp5, $2  }
0x94: {  	_ =	sdelay $0x1  }
0x95: {  	[bflag:$0x0] =	sbarrier.arrive $0xFFFF;
	_ =	sdelay $0x1  }
.LBB2_4:
0x96: {  	_ =	swait.ge [sflag:s16], $0x1E840  }
0x97: {  	[sflag:s16] =	ssyncset.done $0x0  }
0x98: {  	p3 =	seq.s32 s9, $0xF00;
	[sflag:s16] =	ssyncadd.s32 $0xFFFE17C0  }
.Ltmp6:
0x99: {  	_ =	swait.ge [sflag:s16], $0x10;
	(pc) =	sbr.rel @p3 .LBB2_7-.Ltmp6, $3  }
0x9a: {  	[sflag:s16] =	ssyncset.done $0x0  }
0x9b: {  	[sflag:s16] =	ssyncadd.s32 $0xFFFFFFF0  }
0x9c: {  	[bflag:$0x0] =	sbarrier.arrive $0xFFFF;
	_ =	sdelay $0x1  }
0x9d: {  	s1 =	sshrl.u32 s30, $0x3;
	s14 =	rddreg [dreg:$0xd]  }
0x9e: {  	s8 =	smul.u32 $0x7A1400, s1;
	s14 =	sadd.s32 s9, s14  }
0x9f: {  	s14 =	sand.u32 $0x300, s14  }
0xa0: {  	s17 =	rddreg [dreg:$0x1];
	s23 =	simm.s32 $0x10;
	s8 =	sor.u32 s14, s8  }
0xa1: {  	s25 =	simm.s32 $0x1C01;
	s1 =	sshll.u32 s1, $0xA;
	s8 =	sshrl.u32 s8, $0x3  }
0xa2: {  	s1 =	sor.u32 s14, s1;
	s8 =	sadd.s32 s17, s8;
	s17 =	sshrl.u32 s3, $0x3  }
0xa3: {  	[spmem:s17@s23], [sflag:s25] =	dma.strided [hbm:s8@s21], $0x1E840, s16, $0x10   }
0xa4: {  	s1 =	sshrl.u32 s1, $0x3;
	s8 =	rddreg [dreg:$0x8]  }
0xa5: {  	s1 =	sadd.s32 s6, s1;
	s8 =	sshrl.u32 s8, $0x3  }
0xa6: {  	[spmem:s8], [sflag:s25] =	dma.local [hbm:s1], $0x10  }
.LBB2_6:
.Ltmp7:
0xa7: {  	(pc) =	sbr.rel @!p2 .LBB2_7-.Ltmp7, $4  }
.Ltmp8:
0xa8: {  	(pc) =	sbr.rel @p2 .LBB2_8-.Ltmp8, $4  }
0xa9: {  	_ = 	snop  }
0xaa: {  	_ = 	snop  }
0xab: {  	_ = 	snop  }
0xac: {  	_ = 	snop  }
.LBB2_10:
0xad: {  	_ =	sfence.sel $0x180000  }
0xae: {  	[bflag:$0x0] =	sbarrier.arrive $0xFFFF  }
0xaf: {  	_ =	strace $0x90000047  }
0xb0: {  	[bflag:$0x2] =	sbarrier.arrive $0xFFFF  }
0xb1: {  	s0 =	rddreg [dreg:$0x6]  }
0xb2: {  	s0 =	sadd.s32 @!p0 $0x100000, s0  }
0xb3: {  	[sflag:s0] =	ssyncadd.tile.s32 @!p0 $0x1;
	_ =	shalt  }
.Lfunc_end2:
_tile_overlayer_lowered:
.L_overlay_start_2:
0xb4: {  	(tag) =	ssettag $0x2  }
0xb5: {  	s0 =	rddreg [dreg:$0x0];
	s2 =	stileid.u32  }
0xb6: {  	s1 =	rddreg [dreg:$0x1];
	p0 =	sne.s32 s2, $0x0  }
0xb7: {  	s3 =	rddreg [dreg:$0x2];
	[bflag:$0x3] =	sbarrier.arrive $0xFFFF;
	s2 =	simm.s32 @!p0 $0x1C04  }
0xb8: {  	[timem:s3], [sflag:s2] =	dma.local @!p0 [hbm:s0], s1  }
0xb9: {  	s0 =	simm.s32 @!p0 $0x4  }
0xba: {  	_ =	swait.ge @!p0 [sflag:s0], s1  }
0xbb: {  	s1 =	ssub.s32 @!p0 $0x0, s1;
	[sflag:s0] =	ssyncset.done @!p0 $0x0  }
0xbc: {  	[sflag:s0] =	ssyncadd.s32 @!p0 s1  }
0xbd: {  	[bflag:$0x3] =	sbarrier.arrive $0xFFFF  }
0xbe: {  	_ =	shalt  }

</sc_bundles>
